<compile_context>
chip_gen: v7x
topology: tpu7x:2x2x1
jax: 0.10.2.dev20260603
libtpu: 0.0.44.dev20260713+nightly
codegen_flags: <defaults>
</compile_context>

<pallas_src>
import jax
import jax.numpy as jnp
from jax import lax
from jax.experimental import pallas as pl
from jax.experimental.pallas import tpu as pltpu

DIM = 96
NUM_HEADS = 8
HEAD_DIM = DIM // NUM_HEADS
WS = 8
TOPK = 4
H = W = 224
GH = GW = H // WS
R = GH * GW
T = WS * WS
NPIX = H * W
SCALE = HEAD_DIM ** (-0.5)

_PIX_BLK = 3584
_RB = 8


def _qkv_body(x_ref, w_ref, b_ref, o_ref):
    o_ref[...] = lax.dot_general(
        w_ref[...], x_ref[...], (((1,), (0,)), ((), ())),
        preferred_element_type=jnp.float32) + b_ref[...]


def _routing_body(q_ref, k_ref, idx_ref):
    q_r = jnp.mean(q_ref[0], axis=2)
    k_r = jnp.mean(k_ref[0], axis=2)
    s = lax.dot_general(q_r, k_r, (((1,), (1,)), ((), ())),
                        preferred_element_type=jnp.float32) * SCALE
    iota = lax.broadcasted_iota(jnp.int32, (R, R), 1)
    cols = []
    for _ in range(TOPK):
        m = jnp.max(s, axis=1, keepdims=True)
        idx = jnp.min(jnp.where(s == m, iota, R), axis=1)
        cols.append(idx)
        s = jnp.where(iota == idx[:, None], -jnp.inf, s)
    idx_ref[0] = jnp.stack(cols, axis=1).astype(jnp.int32)


def _attn_body(idx_ref, q_ref, k_ref, v_ref, o_ref):
    for i in range(_RB):
        q = q_ref[0, i]
        ks = jnp.concatenate(
            [k_ref[0, idx_ref[0, 0, 0, TOPK * i + j]] for j in range(TOPK)],
            axis=1)
        vs = jnp.concatenate(
            [v_ref[0, idx_ref[0, 0, 0, TOPK * i + j]] for j in range(TOPK)],
            axis=1)
        s = lax.dot_general(q, ks, (((0,), (0,)), ((), ())),
                            preferred_element_type=jnp.float32) * SCALE
        m = jnp.max(s, axis=1, keepdims=True)
        p = jnp.exp(s - m)
        p = p / jnp.sum(p, axis=1, keepdims=True)
        o_ref[0, i] = lax.dot_general(vs, p, (((1,), (1,)), ((), ())),
                                      preferred_element_type=jnp.float32)


def kernel(x, W_qkv, b_qkv, W_proj, b_proj):
    x2 = x.reshape(DIM, NPIX)

    qkv = pl.pallas_call(
        _qkv_body,
        grid=(NPIX // _PIX_BLK,),
        in_specs=[
            pl.BlockSpec((DIM, _PIX_BLK), lambda j: (0, j)),
            pl.BlockSpec((3 * DIM, DIM), lambda j: (0, 0)),
            pl.BlockSpec((3 * DIM, 1), lambda j: (0, 0)),
        ],
        out_specs=pl.BlockSpec((3 * DIM, _PIX_BLK), lambda j: (0, j)),
        out_shape=jax.ShapeDtypeStruct((3 * DIM, NPIX), jnp.float32),
    )(x2, W_qkv, b_qkv.reshape(3 * DIM, 1))

    qkv_w = qkv.reshape(3, NUM_HEADS, HEAD_DIM, GH, WS, GW, WS)
    qkv_w = jnp.transpose(qkv_w, (0, 1, 3, 5, 2, 4, 6))
    qkv_w = qkv_w.reshape(3, NUM_HEADS, R, HEAD_DIM, T)
    q_w, k_w, v_w = qkv_w[0], qkv_w[1], qkv_w[2]

    topk_idx = pl.pallas_call(
        _routing_body,
        grid=(NUM_HEADS,),
        in_specs=[
            pl.BlockSpec((1, R, HEAD_DIM, T), lambda h: (h, 0, 0, 0)),
            pl.BlockSpec((1, R, HEAD_DIM, T), lambda h: (h, 0, 0, 0)),
        ],
        out_specs=pl.BlockSpec((1, R, TOPK), lambda h: (h, 0, 0)),
        out_shape=jax.ShapeDtypeStruct((NUM_HEADS, R, TOPK), jnp.int32),
    )(q_w, k_w)

    idx_smem = topk_idx.reshape(NUM_HEADS, R // _RB, 1, _RB * TOPK)

    out_w = pl.pallas_call(
        _attn_body,
        grid=(NUM_HEADS, R // _RB),
        in_specs=[
            pl.BlockSpec((1, 1, 1, _RB * TOPK), lambda h, rb: (h, rb, 0, 0),
                         memory_space=pltpu.SMEM),
            pl.BlockSpec((1, _RB, HEAD_DIM, T), lambda h, rb: (h, rb, 0, 0)),
            pl.BlockSpec((1, R, HEAD_DIM, T), lambda h, rb: (h, 0, 0, 0)),
            pl.BlockSpec((1, R, HEAD_DIM, T), lambda h, rb: (h, 0, 0, 0)),
        ],
        out_specs=pl.BlockSpec((1, _RB, HEAD_DIM, T),
                               lambda h, rb: (h, rb, 0, 0)),
        out_shape=jax.ShapeDtypeStruct((NUM_HEADS, R, HEAD_DIM, T),
                                       jnp.float32),
    )(idx_smem, q_w, k_w, v_w)

    out_m = out_w.reshape(NUM_HEADS, GH, GW, HEAD_DIM, WS, WS)
    out_m = jnp.transpose(out_m, (0, 3, 1, 4, 2, 5)).reshape(DIM, NPIX)

    out = pl.pallas_call(
        _qkv_body,
        grid=(NPIX // _PIX_BLK,),
        in_specs=[
            pl.BlockSpec((DIM, _PIX_BLK), lambda j: (0, j)),
            pl.BlockSpec((DIM, DIM), lambda j: (0, 0)),
            pl.BlockSpec((DIM, 1), lambda j: (0, 0)),
        ],
        out_specs=pl.BlockSpec((DIM, _PIX_BLK), lambda j: (0, j)),
        out_shape=jax.ShapeDtypeStruct((DIM, NPIX), jnp.float32),
    )(out_m, W_proj, b_proj.reshape(DIM, 1))

    return out.reshape(1, DIM, H, W)

# --- scband reference (transcript-rebuilt; emitter-appended) ---
"""Pipeline reference for scband-bi-level-routing-attention-68049461837846 (READ-ONLY COPY).

The authoritative reference and input builder live on the scoring server;
editing this copy changes nothing except your own understanding.
"""

import jax, jax.numpy as jnp
import numpy as np

DIM = 96
NUM_HEADS = 8
HEAD_DIM = DIM // NUM_HEADS
WS = 8
TOPK = 4


def setup_inputs(seed: int = 0) -> dict:
    key = jax.random.key(seed)
    ks = jax.random.split(key, 5)
    x = jax.random.normal(ks[0], (1, DIM, 224, 224), jnp.float32)
    W_qkv = jax.random.normal(ks[1], (3 * DIM, DIM), jnp.float32) * 0.05
    b_qkv = jax.random.normal(ks[2], (3 * DIM,), jnp.float32) * 0.01
    W_proj = jax.random.normal(ks[3], (DIM, DIM), jnp.float32) * 0.05
    b_proj = jax.random.normal(ks[4], (DIM,), jnp.float32) * 0.01
    return {"x": x, "W_qkv": W_qkv, "b_qkv": b_qkv, "W_proj": W_proj, "b_proj": b_proj}


def _window_partition(x, ws):
    bh, d, h, w = x.shape
    gh, gw = h // ws, w // ws
    x = x.reshape(bh, d, gh, ws, gw, ws)
    x = jnp.transpose(x, (0, 2, 4, 3, 5, 1))
    return x.reshape(bh, gh * gw, ws * ws, d)


def _window_reverse(x, ws, gh, gw):
    bh, r, t, d = x.shape
    x = x.reshape(bh, gh, gw, ws, ws, d)
    x = jnp.transpose(x, (0, 5, 1, 3, 2, 4))
    return x.reshape(bh, d, gh * ws, gw * ws)


def _forward(x, W_qkv, b_qkv, W_proj, b_proj):
    b, c, h0, w0 = x.shape
    ws = WS
    ph = (ws - h0 % ws) % ws
    pw = (ws - w0 % ws) % ws
    xp = jnp.pad(x, ((0, 0), (0, 0), (0, ph), (0, pw))) if (ph or pw) else x
    H, W = h0 + ph, w0 + pw
    gh, gw = H // ws, W // ws
    scale = HEAD_DIM ** (-0.5)
    qkv = jnp.einsum('bchw,oc->bohw', xp, W_qkv) + b_qkv[None, :, None, None]
    q, k, v = jnp.split(qkv, 3, axis=1)

    def to_bh(t_):
        t_ = t_.reshape(b, NUM_HEADS, HEAD_DIM, H, W)
        t_ = jnp.transpose(t_, (0, 1, 3, 4, 2)).reshape(b * NUM_HEADS, H, W, HEAD_DIM)
        return jnp.transpose(t_, (0, 3, 1, 2))

    q = to_bh(q); k = to_bh(k); v = to_bh(v)
    q_w = _window_partition(q, ws)
    k_w = _window_partition(k, ws)
    v_w = _window_partition(v, ws)
    bh_, r, t, d = q_w.shape
    # region-level routing: mean-pooled region tokens, region affinity, top-k routing
    q_r = q_w.mean(axis=2)
    k_r = k_w.mean(axis=2)
    attn_r = jnp.einsum('brd,bkd->brk', q_r, k_r) * scale
    topk = min(TOPK, r)
    _, topk_idx = jax.lax.top_k(attn_r, topk)  # [bh, r, topk]
    # token-level attention within routed regions (vectorized gather)
    bidx = jnp.arange(bh_)[:, None, None]
    k_sel = k_w[bidx, topk_idx].reshape(bh_, r, topk * t, d)
    v_sel = v_w[bidx, topk_idx].reshape(bh_, r, topk * t, d)
    attn = jnp.einsum('brtd,brsd->brts', q_w, k_sel) * scale
    attn = jax.nn.softmax(attn, axis=-1)
    out_w = jnp.einsum('brts,brsd->brtd', attn, v_sel)
    out = _window_reverse(out_w, ws, gh, gw)  # [b*nh, hd, H, W]
    out = out.reshape(b, NUM_HEADS * HEAD_DIM, H, W)
    if ph or pw:
        out = out[:, :, :h0, :w0]
    out = jnp.einsum('bchw,oc->bohw', out, W_proj) + b_proj[None, :, None, None]
    return out


def reference(x, W_qkv, b_qkv, W_proj, b_proj):
    return _forward(x, W_qkv, b_qkv, W_proj, b_proj)

if __name__ == "__main__":
    import jax
    _d = setup_inputs()
    print(jax.jit(kernel)(*tuple(_d.values())))

</pallas_src>

<mosaic_0001>
module attributes {stable_mosaic.version = 14 : i64} {
  func.func @_qkv_body(%arg0: i32, %arg1: memref<96x3584xf32, #tpu.memory_space<vmem>>, %arg2: memref<288x96xf32, #tpu.memory_space<vmem>>, %arg3: memref<288x1xf32, #tpu.memory_space<vmem>>, %arg4: memref<288x3584xf32, #tpu.memory_space<vmem>>) attributes {dimension_semantics = [#tpu.dimension_semantics<arbitrary>], iteration_bounds = array<i64: 14>, scalar_prefetch = 0 : i64, scratch_operands = 0 : i64, tpu.core_type = #tpu.core_type<tc>, window_params = [{transform_indices = @transform_0, window_bounds = array<i64: 96, 3584>}, {pipeline_mode = #tpu.pipeline_mode<synchronous>, transform_indices = @transform_1, window_bounds = array<i64: 288, 96>}, {pipeline_mode = #tpu.pipeline_mode<synchronous>, transform_indices = @transform_2, window_bounds = array<i64: 288, 1>}, {transform_indices = @transform_3, window_bounds = array<i64: 288, 3584>}]} {
    %get3A = arith.constant 0 : index
    %get3A_0 = arith.constant 0 : index
    %get3A_1 = vector.load %arg2[%get3A, %get3A_0] : memref<288x96xf32, #tpu.memory_space<vmem>>, vector<288x96xf32>
    %get3A_2 = arith.constant 0 : index
    %get3A_3 = arith.constant 0 : index
    %get3A_4 = vector.load %arg1[%get3A_2, %get3A_3] : memref<96x3584xf32, #tpu.memory_space<vmem>>, vector<96x3584xf32>
    %dot_general3A = arith.constant dense<0.000000e+00> : vector<288x3584xf32>
    %dot_general3A_5 = tpu.matmul %get3A_1, %get3A_4, %dot_general3A {dimension_numbers = #tpu.dot_dimension_numbers<[1], [0], [0], [1], [0, 0, 1, 1], [], []>, transpose_lhs_hint = false} : vector<288x96xf32>, vector<96x3584xf32>, vector<288x3584xf32> -> vector<288x3584xf32>
    %get3A_6 = arith.constant 0 : index
    %get3A_7 = arith.constant 0 : index
    %get3A_8 = vector.load %arg3[%get3A_6, %get3A_7] : memref<288x1xf32, #tpu.memory_space<vmem>>, vector<288x1xf32>
    %add3A = vector.broadcast %get3A_8 : vector<288x1xf32> to vector<288x3584xf32>
    %add3A_9 = arith.addf %dot_general3A_5, %add3A : vector<288x3584xf32>
    %swap3A = arith.constant 0 : index
    %swap3A_10 = arith.constant 0 : index
    %swap3A_11 = vector.load %arg4[%swap3A, %swap3A_10] : memref<288x3584xf32, #tpu.memory_space<vmem>>, vector<288x3584xf32>
    tpu.vector_store %arg4[%swap3A, %swap3A_10], %add3A_9 {strides = array<i32>} : memref<288x3584xf32, #tpu.memory_space<vmem>>, vector<288x3584xf32>,
    return
  }
  func.func @transform_0(%arg0: i32) -> (i32, i32) {
    %c0_i32 = arith.constant 0 : i32
    %c0_i32_0 = arith.constant 0 : i32
    return %c0_i32, %arg0 : i32, i32
  }
  func.func @transform_1(%arg0: i32) -> (i32, i32) {
    %c0_i32 = arith.constant 0 : i32
    %c0_i32_0 = arith.constant 0 : i32
    %c0_i32_1 = arith.constant 0 : i32
    return %c0_i32, %c0_i32_0 : i32, i32
  }
  func.func @transform_2(%arg0: i32) -> (i32, i32) {
    %c0_i32 = arith.constant 0 : i32
    %c0_i32_0 = arith.constant 0 : i32
    %c0_i32_1 = arith.constant 0 : i32
    return %c0_i32, %c0_i32_0 : i32, i32
  }
  func.func @transform_3(%arg0: i32) -> (i32, i32) {
    %c0_i32 = arith.constant 0 : i32
    %c0_i32_0 = arith.constant 0 : i32
    return %c0_i32, %arg0 : i32, i32
  }
}

module attributes {stable_mosaic.version = 14 : i64} {
  func.func @_routing_body(%arg0: i32, %arg1: memref<1x784x12x64xf32, #tpu.memory_space<vmem>>, %arg2: memref<1x784x12x64xf32, #tpu.memory_space<vmem>>, %arg3: memref<1x784x4xi32, #tpu.memory_space<vmem>>) attributes {dimension_semantics = [#tpu.dimension_semantics<arbitrary>], iteration_bounds = array<i64: 8>, scalar_prefetch = 0 : i64, scratch_operands = 0 : i64, tpu.core_type = #tpu.core_type<tc>, window_params = [{transform_indices = @transform_0, window_bounds = array<i64: 1, 784, 12, 64>}, {transform_indices = @transform_1, window_bounds = array<i64: 1, 784, 12, 64>}, {transform_indices = @transform_2, window_bounds = array<i64: 1, 784, 4>}]} {
    %get3A = arith.constant 0 : index
    %get3A_0 = arith.constant 0 : index
    %get3A_1 = arith.constant 0 : index
    %get3A_2 = arith.constant 0 : index
    %get3A_3 = vector.load %arg1[%get3A, %get3A_0, %get3A_1, %get3A_2] : memref<1x784x12x64xf32, #tpu.memory_space<vmem>>, vector<1x784x12x64xf32>
    %get3A_4 = vector.shape_cast %get3A_3 : vector<1x784x12x64xf32> to vector<784x12x64xf32>
    %reduce_sum3A = arith.constant dense<0.000000e+00> : vector<784x12xf32>
    %reduce_sum3A_5 = vector.multi_reduction <add>, %get3A_4, %reduce_sum3A [2] : vector<784x12x64xf32> to vector<784x12xf32>
    %div3A = arith.constant 6.400000e+01 : f32
    %div3A_6 = vector.broadcast %div3A : f32 to vector<784x12xf32>
    %div3A_7 = arith.divf %reduce_sum3A_5, %div3A_6 : vector<784x12xf32>
    %get3A_8 = arith.constant 0 : index
    %get3A_9 = arith.constant 0 : index
    %get3A_10 = arith.constant 0 : index
    %get3A_11 = arith.constant 0 : index
    %get3A_12 = vector.load %arg2[%get3A_8, %get3A_9, %get3A_10, %get3A_11] : memref<1x784x12x64xf32, #tpu.memory_space<vmem>>, vector<1x784x12x64xf32>
    %get3A_13 = vector.shape_cast %get3A_12 : vector<1x784x12x64xf32> to vector<784x12x64xf32>
    %reduce_sum3A_14 = arith.constant dense<0.000000e+00> : vector<784x12xf32>
    %reduce_sum3A_15 = vector.multi_reduction <add>, %get3A_13, %reduce_sum3A_14 [2] : vector<784x12x64xf32> to vector<784x12xf32>
    %div3A_16 = arith.constant 6.400000e+01 : f32
    %div3A_17 = vector.broadcast %div3A_16 : f32 to vector<784x12xf32>
    %div3A_18 = arith.divf %reduce_sum3A_15, %div3A_17 : vector<784x12xf32>
    %dot_general3A = arith.constant dense<0.000000e+00> : vector<784x784xf32>
    %dot_general3A_19 = tpu.matmul %div3A_7, %div3A_18, %dot_general3A {dimension_numbers = #tpu.dot_dimension_numbers<[1], [1], [0], [0], [0, 0, 1, 0], [], []>, transpose_lhs_hint = false} : vector<784x12xf32>, vector<784x12xf32>, vector<784x784xf32> -> vector<784x784xf32>
    %mul3A = arith.constant 0.288675129 : f32
    %mul3A_20 = vector.broadcast %mul3A : f32 to vector<784x784xf32>
    %mul3A_21 = arith.mulf %dot_general3A_19, %mul3A_20 : vector<784x784xf32>
    %iota3A = tpu.iota {dimensions = array<i32: 1>} : vector<784x784xi32>
    %reduce_max3A = arith.constant dense<0xFF800000> : vector<784xf32>
    %reduce_max3A_22 = vector.multi_reduction <maximumf>, %mul3A_21, %reduce_max3A [1] : vector<784x784xf32> to vector<784xf32>
    %broadcast_in_dim3A = vector.shape_cast %reduce_max3A_22 : vector<784xf32> to vector<784x1xf32>
    %eq3A = vector.broadcast %broadcast_in_dim3A : vector<784x1xf32> to vector<784x784xf32>
    %eq3A_23 = arith.cmpf oeq, %mul3A_21, %eq3A : vector<784x784xf32>
    %jit3A = arith.constant 784 : i32
    %broadcast_in_dim3A_24 = vector.broadcast %jit3A : i32 to vector<784x784xi32>
    %select_n3A = arith.select %eq3A_23, %iota3A, %broadcast_in_dim3A_24 : vector<784x784xi1>, vector<784x784xi32>
    %reduce_min3A = arith.constant dense<2147483647> : vector<784xi32>
    %reduce_min3A_25 = vector.multi_reduction <minsi>, %select_n3A, %reduce_min3A [1] : vector<784x784xi32> to vector<784xi32>
    %broadcast_in_dim3A_26 = vector.shape_cast %reduce_min3A_25 : vector<784xi32> to vector<784x1xi32>
    %eq3A_27 = vector.broadcast %broadcast_in_dim3A_26 : vector<784x1xi32> to vector<784x784xi32>
    %eq3A_28 = arith.cmpi eq, %iota3A, %eq3A_27 : vector<784x784xi32>
    %jit3A_29 = arith.constant 0xFF800000 : f32
    %broadcast_in_dim3A_30 = vector.broadcast %jit3A_29 : f32 to vector<784x784xf32>
    %select_n3A_31 = arith.select %eq3A_28, %broadcast_in_dim3A_30, %mul3A_21 : vector<784x784xi1>, vector<784x784xf32>
    %reduce_max3A_32 = arith.constant dense<0xFF800000> : vector<784xf32>
    %reduce_max3A_33 = vector.multi_reduction <maximumf>, %select_n3A_31, %reduce_max3A_32 [1] : vector<784x784xf32> to vector<784xf32>
    %broadcast_in_dim3A_34 = vector.shape_cast %reduce_max3A_33 : vector<784xf32> to vector<784x1xf32>
    %eq3A_35 = vector.broadcast %broadcast_in_dim3A_34 : vector<784x1xf32> to vector<784x784xf32>
    %eq3A_36 = arith.cmpf oeq, %select_n3A_31, %eq3A_35 : vector<784x784xf32>
    %jit3A_37 = arith.constant 784 : i32
    %broadcast_in_dim3A_38 = vector.broadcast %jit3A_37 : i32 to vector<784x784xi32>
    %select_n3A_39 = arith.select %eq3A_36, %iota3A, %broadcast_in_dim3A_38 : vector<784x784xi1>, vector<784x784xi32>
    %reduce_min3A_40 = arith.constant dense<2147483647> : vector<784xi32>
    %reduce_min3A_41 = vector.multi_reduction <minsi>, %select_n3A_39, %reduce_min3A_40 [1] : vector<784x784xi32> to vector<784xi32>
    %broadcast_in_dim3A_42 = vector.shape_cast %reduce_min3A_41 : vector<784xi32> to vector<784x1xi32>
    %eq3A_43 = vector.broadcast %broadcast_in_dim3A_42 : vector<784x1xi32> to vector<784x784xi32>
    %eq3A_44 = arith.cmpi eq, %iota3A, %eq3A_43 : vector<784x784xi32>
    %jit3A_45 = arith.constant 0xFF800000 : f32
    %broadcast_in_dim3A_46 = vector.broadcast %jit3A_45 : f32 to vector<784x784xf32>
    %select_n3A_47 = arith.select %eq3A_44, %broadcast_in_dim3A_46, %select_n3A_31 : vector<784x784xi1>, vector<784x784xf32>
    %reduce_max3A_48 = arith.constant dense<0xFF800000> : vector<784xf32>
    %reduce_max3A_49 = vector.multi_reduction <maximumf>, %select_n3A_47, %reduce_max3A_48 [1] : vector<784x784xf32> to vector<784xf32>
    %broadcast_in_dim3A_50 = vector.shape_cast %reduce_max3A_49 : vector<784xf32> to vector<784x1xf32>
    %eq3A_51 = vector.broadcast %broadcast_in_dim3A_50 : vector<784x1xf32> to vector<784x784xf32>
    %eq3A_52 = arith.cmpf oeq, %select_n3A_47, %eq3A_51 : vector<784x784xf32>
    %jit3A_53 = arith.constant 784 : i32
    %broadcast_in_dim3A_54 = vector.broadcast %jit3A_53 : i32 to vector<784x784xi32>
    %select_n3A_55 = arith.select %eq3A_52, %iota3A, %broadcast_in_dim3A_54 : vector<784x784xi1>, vector<784x784xi32>
    %reduce_min3A_56 = arith.constant dense<2147483647> : vector<784xi32>
    %reduce_min3A_57 = vector.multi_reduction <minsi>, %select_n3A_55, %reduce_min3A_56 [1] : vector<784x784xi32> to vector<784xi32>
    %broadcast_in_dim3A_58 = vector.shape_cast %reduce_min3A_57 : vector<784xi32> to vector<784x1xi32>
    %eq3A_59 = vector.broadcast %broadcast_in_dim3A_58 : vector<784x1xi32> to vector<784x784xi32>
    %eq3A_60 = arith.cmpi eq, %iota3A, %eq3A_59 : vector<784x784xi32>
    %jit3A_61 = arith.constant 0xFF800000 : f32
    %broadcast_in_dim3A_62 = vector.broadcast %jit3A_61 : f32 to vector<784x784xf32>
    %select_n3A_63 = arith.select %eq3A_60, %broadcast_in_dim3A_62, %select_n3A_47 : vector<784x784xi1>, vector<784x784xf32>
    %reduce_max3A_64 = arith.constant dense<0xFF800000> : vector<784xf32>
    %reduce_max3A_65 = vector.multi_reduction <maximumf>, %select_n3A_63, %reduce_max3A_64 [1] : vector<784x784xf32> to vector<784xf32>
    %broadcast_in_dim3A_66 = vector.shape_cast %reduce_max3A_65 : vector<784xf32> to vector<784x1xf32>
    %eq3A_67 = vector.broadcast %broadcast_in_dim3A_66 : vector<784x1xf32> to vector<784x784xf32>
    %eq3A_68 = arith.cmpf oeq, %select_n3A_63, %eq3A_67 : vector<784x784xf32>
    %jit3A_69 = arith.constant 784 : i32
    %broadcast_in_dim3A_70 = vector.broadcast %jit3A_69 : i32 to vector<784x784xi32>
    %select_n3A_71 = arith.select %eq3A_68, %iota3A, %broadcast_in_dim3A_70 : vector<784x784xi1>, vector<784x784xi32>
    %reduce_min3A_72 = arith.constant dense<2147483647> : vector<784xi32>
    %reduce_min3A_73 = vector.multi_reduction <minsi>, %select_n3A_71, %reduce_min3A_72 [1] : vector<784x784xi32> to vector<784xi32>
    %stack3A = vector.shape_cast %reduce_min3A_25 : vector<784xi32> to vector<784x1xi32>
    %stack3A_74 = vector.shape_cast %reduce_min3A_41 : vector<784xi32> to vector<784x1xi32>
    %stack3A_75 = vector.shape_cast %reduce_min3A_57 : vector<784xi32> to vector<784x1xi32>
    %stack3A_76 = vector.shape_cast %reduce_min3A_73 : vector<784xi32> to vector<784x1xi32>
    %stack3A_77 = tpu.concatenate %stack3A, %stack3A_74, %stack3A_75, %stack3A_76 in 1 : vector<784x1xi32>, vector<784x1xi32>, vector<784x1xi32>, vector<784x1xi32> -> vector<784x4xi32>
    %swap3A = arith.constant 0 : index
    %swap3A_78 = arith.constant 0 : index
    %swap3A_79 = arith.constant 0 : index
    %swap3A_80 = vector.load %arg3[%swap3A, %swap3A_78, %swap3A_79] : memref<1x784x4xi32, #tpu.memory_space<vmem>>, vector<1x784x4xi32>
    %swap3A_81 = vector.shape_cast %swap3A_80 : vector<1x784x4xi32> to vector<784x4xi32>
    %swap3A_82 = vector.shape_cast %stack3A_77 : vector<784x4xi32> to vector<1x784x4xi32>
    tpu.vector_store %arg3[%swap3A, %swap3A_78, %swap3A_79], %swap3A_82 {strides = array<i32>} : memref<1x784x4xi32, #tpu.memory_space<vmem>>, vector<1x784x4xi32>,
    return
  }
  func.func @transform_0(%arg0: i32) -> (i32, i32, i32, i32) {
    %c0_i32 = arith.constant 0 : i32
    %c0_i32_0 = arith.constant 0 : i32
    %c0_i32_1 = arith.constant 0 : i32
    %c0_i32_2 = arith.constant 0 : i32
    return %arg0, %c0_i32, %c0_i32_0, %c0_i32_1 : i32, i32, i32, i32
  }
  func.func @transform_1(%arg0: i32) -> (i32, i32, i32, i32) {
    %c0_i32 = arith.constant 0 : i32
    %c0_i32_0 = arith.constant 0 : i32
    %c0_i32_1 = arith.constant 0 : i32
    %c0_i32_2 = arith.constant 0 : i32
    return %arg0, %c0_i32, %c0_i32_0, %c0_i32_1 : i32, i32, i32, i32
  }
  func.func @transform_2(%arg0: i32) -> (i32, i32, i32) {
    %c0_i32 = arith.constant 0 : i32
    %c0_i32_0 = arith.constant 0 : i32
    %c0_i32_1 = arith.constant 0 : i32
    return %arg0, %c0_i32, %c0_i32_0 : i32, i32, i32
  }
}

module attributes {stable_mosaic.version = 14 : i64} {
  func.func @_attn_body(%arg0: i32, %arg1: i32, %arg2: memref<1x1x1x32xi32, #tpu.memory_space<smem>>, %arg3: memref<1x8x12x64xf32, #tpu.memory_space<vmem>>, %arg4: memref<1x784x12x64xf32, #tpu.memory_space<vmem>>, %arg5: memref<1x784x12x64xf32, #tpu.memory_space<vmem>>, %arg6: memref<1x8x12x64xf32, #tpu.memory_space<vmem>>) attributes {dimension_semantics = [#tpu.dimension_semantics<arbitrary>, #tpu.dimension_semantics<arbitrary>], iteration_bounds = array<i64: 8, 98>, scalar_prefetch = 0 : i64, scratch_operands = 0 : i64, tpu.core_type = #tpu.core_type<tc>, window_params = [{transform_indices = @transform_0, window_bounds = array<i64: 1, 1, 1, 32>}, {transform_indices = @transform_1, window_bounds = array<i64: 1, 8, 12, 64>}, {transform_indices = @transform_2, window_bounds = array<i64: 1, 784, 12, 64>}, {transform_indices = @transform_3, window_bounds = array<i64: 1, 784, 12, 64>}, {transform_indices = @transform_4, window_bounds = array<i64: 1, 8, 12, 64>}]} {
    %get3A = arith.constant 0 : index
    %get3A_0 = arith.constant 0 : index
    %get3A_1 = arith.constant 0 : index
    %get3A_2 = arith.constant 0 : index
    %get3A_3 = vector.load %arg3[%get3A, %get3A_0, %get3A_1, %get3A_2] : memref<1x8x12x64xf32, #tpu.memory_space<vmem>>, vector<1x1x12x64xf32>
    %get3A_4 = vector.shape_cast %get3A_3 : vector<1x1x12x64xf32> to vector<12x64xf32>
    %get3A_5 = arith.constant 0 : index
    %get3A_6 = arith.constant 0 : index
    %get3A_7 = arith.constant 0 : index
    %get3A_8 = arith.constant 0 : index
    %get3A_9 = memref.load %arg2[%get3A_5, %get3A_6, %get3A_7, %get3A_8] : memref<1x1x1x32xi32, #tpu.memory_space<smem>>
    %get3A_10 = arith.constant 0 : index
    %get3A_11 = arith.index_cast %get3A_9 : i32 to index
    %get3A_12 = arith.constant 0 : index
    %get3A_13 = arith.constant 0 : index
    %get3A_14 = vector.load %arg4[%get3A_10, %get3A_11, %get3A_12, %get3A_13] : memref<1x784x12x64xf32, #tpu.memory_space<vmem>>, vector<1x1x12x64xf32>
    %get3A_15 = vector.shape_cast %get3A_14 : vector<1x1x12x64xf32> to vector<12x64xf32>
    %get3A_16 = arith.constant 0 : index
    %get3A_17 = arith.constant 0 : index
    %get3A_18 = arith.constant 0 : index
    %get3A_19 = arith.constant 1 : index
    %get3A_20 = memref.load %arg2[%get3A_16, %get3A_17, %get3A_18, %get3A_19] : memref<1x1x1x32xi32, #tpu.memory_space<smem>>
    %get3A_21 = arith.constant 0 : index
    %get3A_22 = arith.index_cast %get3A_20 : i32 to index
    %get3A_23 = arith.constant 0 : index
    %get3A_24 = arith.constant 0 : index
    %get3A_25 = vector.load %arg4[%get3A_21, %get3A_22, %get3A_23, %get3A_24] : memref<1x784x12x64xf32, #tpu.memory_space<vmem>>, vector<1x1x12x64xf32>
    %get3A_26 = vector.shape_cast %get3A_25 : vector<1x1x12x64xf32> to vector<12x64xf32>
    %get3A_27 = arith.constant 0 : index
    %get3A_28 = arith.constant 0 : index
    %get3A_29 = arith.constant 0 : index
    %get3A_30 = arith.constant 2 : index
    %get3A_31 = memref.load %arg2[%get3A_27, %get3A_28, %get3A_29, %get3A_30] : memref<1x1x1x32xi32, #tpu.memory_space<smem>>
    %get3A_32 = arith.constant 0 : index
    %get3A_33 = arith.index_cast %get3A_31 : i32 to index
    %get3A_34 = arith.constant 0 : index
    %get3A_35 = arith.constant 0 : index
    %get3A_36 = vector.load %arg4[%get3A_32, %get3A_33, %get3A_34, %get3A_35] : memref<1x784x12x64xf32, #tpu.memory_space<vmem>>, vector<1x1x12x64xf32>
    %get3A_37 = vector.shape_cast %get3A_36 : vector<1x1x12x64xf32> to vector<12x64xf32>
    %get3A_38 = arith.constant 0 : index
    %get3A_39 = arith.constant 0 : index
    %get3A_40 = arith.constant 0 : index
    %get3A_41 = arith.constant 3 : index
    %get3A_42 = memref.load %arg2[%get3A_38, %get3A_39, %get3A_40, %get3A_41] : memref<1x1x1x32xi32, #tpu.memory_space<smem>>
    %get3A_43 = arith.constant 0 : index
    %get3A_44 = arith.index_cast %get3A_42 : i32 to index
    %get3A_45 = arith.constant 0 : index
    %get3A_46 = arith.constant 0 : index
    %get3A_47 = vector.load %arg4[%get3A_43, %get3A_44, %get3A_45, %get3A_46] : memref<1x784x12x64xf32, #tpu.memory_space<vmem>>, vector<1x1x12x64xf32>
    %get3A_48 = vector.shape_cast %get3A_47 : vector<1x1x12x64xf32> to vector<12x64xf32>
    %concatenate3A = tpu.concatenate %get3A_15, %get3A_26, %get3A_37, %get3A_48 in 1 : vector<12x64xf32>, vector<12x64xf32>, vector<12x64xf32>, vector<12x64xf32> -> vector<12x256xf32>
    %get3A_49 = arith.constant 0 : index
    %get3A_50 = arith.constant 0 : index
    %get3A_51 = arith.constant 0 : index
    %get3A_52 = arith.constant 0 : index
    %get3A_53 = memref.load %arg2[%get3A_49, %get3A_50, %get3A_51, %get3A_52] : memref<1x1x1x32xi32, #tpu.memory_space<smem>>
    %get3A_54 = arith.constant 0 : index
    %get3A_55 = arith.index_cast %get3A_53 : i32 to index
    %get3A_56 = arith.constant 0 : index
    %get3A_57 = arith.constant 0 : index
    %get3A_58 = vector.load %arg5[%get3A_54, %get3A_55, %get3A_56, %get3A_57] : memref<1x784x12x64xf32, #tpu.memory_space<vmem>>, vector<1x1x12x64xf32>
    %get3A_59 = vector.shape_cast %get3A_58 : vector<1x1x12x64xf32> to vector<12x64xf32>
    %get3A_60 = arith.constant 0 : index
    %get3A_61 = arith.constant 0 : index
    %get3A_62 = arith.constant 0 : index
    %get3A_63 = arith.constant 1 : index
    %get3A_64 = memref.load %arg2[%get3A_60, %get3A_61, %get3A_62, %get3A_63] : memref<1x1x1x32xi32, #tpu.memory_space<smem>>
    %get3A_65 = arith.constant 0 : index
    %get3A_66 = arith.index_cast %get3A_64 : i32 to index
    %get3A_67 = arith.constant 0 : index
    %get3A_68 = arith.constant 0 : index
    %get3A_69 = vector.load %arg5[%get3A_65, %get3A_66, %get3A_67, %get3A_68] : memref<1x784x12x64xf32, #tpu.memory_space<vmem>>, vector<1x1x12x64xf32>
    %get3A_70 = vector.shape_cast %get3A_69 : vector<1x1x12x64xf32> to vector<12x64xf32>
    %get3A_71 = arith.constant 0 : index
    %get3A_72 = arith.constant 0 : index
    %get3A_73 = arith.constant 0 : index
    %get3A_74 = arith.constant 2 : index
    %get3A_75 = memref.load %arg2[%get3A_71, %get3A_72, %get3A_73, %get3A_74] : memref<1x1x1x32xi32, #tpu.memory_space<smem>>
    %get3A_76 = arith.constant 0 : index
    %get3A_77 = arith.index_cast %get3A_75 : i32 to index
    %get3A_78 = arith.constant 0 : index
    %get3A_79 = arith.constant 0 : index
    %get3A_80 = vector.load %arg5[%get3A_76, %get3A_77, %get3A_78, %get3A_79] : memref<1x784x12x64xf32, #tpu.memory_space<vmem>>, vector<1x1x12x64xf32>
    %get3A_81 = vector.shape_cast %get3A_80 : vector<1x1x12x64xf32> to vector<12x64xf32>
    %get3A_82 = arith.constant 0 : index
    %get3A_83 = arith.constant 0 : index
    %get3A_84 = arith.constant 0 : index
    %get3A_85 = arith.constant 3 : index
    %get3A_86 = memref.load %arg2[%get3A_82, %get3A_83, %get3A_84, %get3A_85] : memref<1x1x1x32xi32, #tpu.memory_space<smem>>
    %get3A_87 = arith.constant 0 : index
    %get3A_88 = arith.index_cast %get3A_86 : i32 to index
    %get3A_89 = arith.constant 0 : index
    %get3A_90 = arith.constant 0 : index
    %get3A_91 = vector.load %arg5[%get3A_87, %get3A_88, %get3A_89, %get3A_90] : memref<1x784x12x64xf32, #tpu.memory_space<vmem>>, vector<1x1x12x64xf32>
    %get3A_92 = vector.shape_cast %get3A_91 : vector<1x1x12x64xf32> to vector<12x64xf32>
    %concatenate3A_93 = tpu.concatenate %get3A_59, %get3A_70, %get3A_81, %get3A_92 in 1 : vector<12x64xf32>, vector<12x64xf32>, vector<12x64xf32>, vector<12x64xf32> -> vector<12x256xf32>
    %dot_general3A = arith.constant dense<0.000000e+00> : vector<64x256xf32>
    %dot_general3A_94 = tpu.matmul %get3A_4, %concatenate3A, %dot_general3A {dimension_numbers = #tpu.dot_dimension_numbers<[0], [0], [1], [1], [0, 1, 1, 1], [], []>, transpose_lhs_hint = false} : vector<12x64xf32>, vector<12x256xf32>, vector<64x256xf32> -> vector<64x256xf32>
    %mul3A = arith.constant 0.288675129 : f32
    %mul3A_95 = vector.broadcast %mul3A : f32 to vector<64x256xf32>
    %mul3A_96 = arith.mulf %dot_general3A_94, %mul3A_95 : vector<64x256xf32>
    %reduce_max3A = arith.constant dense<0xFF800000> : vector<64xf32>
    %reduce_max3A_97 = vector.multi_reduction <maximumf>, %mul3A_96, %reduce_max3A [1] : vector<64x256xf32> to vector<64xf32>
    %broadcast_in_dim3A = vector.shape_cast %reduce_max3A_97 : vector<64xf32> to vector<64x1xf32>
    %sub3A = vector.broadcast %broadcast_in_dim3A : vector<64x1xf32> to vector<64x256xf32>
    %sub3A_98 = arith.subf %mul3A_96, %sub3A : vector<64x256xf32>
    %exp3A = math.exp %sub3A_98 : vector<64x256xf32>
    %reduce_sum3A = arith.constant dense<0.000000e+00> : vector<64xf32>
    %reduce_sum3A_99 = vector.multi_reduction <add>, %exp3A, %reduce_sum3A [1] : vector<64x256xf32> to vector<64xf32>
    %broadcast_in_dim3A_100 = vector.shape_cast %reduce_sum3A_99 : vector<64xf32> to vector<64x1xf32>
    %div3A = vector.broadcast %broadcast_in_dim3A_100 : vector<64x1xf32> to vector<64x256xf32>
    %div3A_101 = arith.divf %exp3A, %div3A : vector<64x256xf32>
    %dot_general3A_102 = arith.constant dense<0.000000e+00> : vector<12x64xf32>
    %dot_general3A_103 = tpu.matmul %concatenate3A_93, %div3A_101, %dot_general3A_102 {dimension_numbers = #tpu.dot_dimension_numbers<[1], [1], [0], [0], [0, 0, 1, 0], [], []>, transpose_lhs_hint = false} : vector<12x256xf32>, vector<64x256xf32>, vector<12x64xf32> -> vector<12x64xf32>
    %swap3A = arith.constant 0 : index
    %swap3A_104 = arith.constant 0 : index
    %swap3A_105 = arith.constant 0 : index
    %swap3A_106 = arith.constant 0 : index
    %swap3A_107 = vector.load %arg6[%swap3A, %swap3A_104, %swap3A_105, %swap3A_106] : memref<1x8x12x64xf32, #tpu.memory_space<vmem>>, vector<1x1x12x64xf32>
    %swap3A_108 = vector.shape_cast %swap3A_107 : vector<1x1x12x64xf32> to vector<12x64xf32>
    %swap3A_109 = vector.shape_cast %dot_general3A_103 : vector<12x64xf32> to vector<1x1x12x64xf32>
    tpu.vector_store %arg6[%swap3A, %swap3A_104, %swap3A_105, %swap3A_106], %swap3A_109 {strides = array<i32>} : memref<1x8x12x64xf32, #tpu.memory_space<vmem>>, vector<1x1x12x64xf32>,
    %get3A_110 = arith.constant 0 : index
    %get3A_111 = arith.constant 1 : index
    %get3A_112 = arith.constant 0 : index
    %get3A_113 = arith.constant 0 : index
    %get3A_114 = vector.load %arg3[%get3A_110, %get3A_111, %get3A_112, %get3A_113] : memref<1x8x12x64xf32, #tpu.memory_space<vmem>>, vector<1x1x12x64xf32>
    %get3A_115 = vector.shape_cast %get3A_114 : vector<1x1x12x64xf32> to vector<12x64xf32>
    %get3A_116 = arith.constant 0 : index
    %get3A_117 = arith.constant 0 : index
    %get3A_118 = arith.constant 0 : index
    %get3A_119 = arith.constant 4 : index
    %get3A_120 = memref.load %arg2[%get3A_116, %get3A_117, %get3A_118, %get3A_119] : memref<1x1x1x32xi32, #tpu.memory_space<smem>>
    %get3A_121 = arith.constant 0 : index
    %get3A_122 = arith.index_cast %get3A_120 : i32 to index
    %get3A_123 = arith.constant 0 : index
    %get3A_124 = arith.constant 0 : index
    %get3A_125 = vector.load %arg4[%get3A_121, %get3A_122, %get3A_123, %get3A_124] : memref<1x784x12x64xf32, #tpu.memory_space<vmem>>, vector<1x1x12x64xf32>
    %get3A_126 = vector.shape_cast %get3A_125 : vector<1x1x12x64xf32> to vector<12x64xf32>
    %get3A_127 = arith.constant 0 : index
    %get3A_128 = arith.constant 0 : index
    %get3A_129 = arith.constant 0 : index
    %get3A_130 = arith.constant 5 : index
    %get3A_131 = memref.load %arg2[%get3A_127, %get3A_128, %get3A_129, %get3A_130] : memref<1x1x1x32xi32, #tpu.memory_space<smem>>
    %get3A_132 = arith.constant 0 : index
    %get3A_133 = arith.index_cast %get3A_131 : i32 to index
    %get3A_134 = arith.constant 0 : index
    %get3A_135 = arith.constant 0 : index
    %get3A_136 = vector.load %arg4[%get3A_132, %get3A_133, %get3A_134, %get3A_135] : memref<1x784x12x64xf32, #tpu.memory_space<vmem>>, vector<1x1x12x64xf32>
    %get3A_137 = vector.shape_cast %get3A_136 : vector<1x1x12x64xf32> to vector<12x64xf32>
    %get3A_138 = arith.constant 0 : index
    %get3A_139 = arith.constant 0 : index
    %get3A_140 = arith.constant 0 : index
    %get3A_141 = arith.constant 6 : index
    %get3A_142 = memref.load %arg2[%get3A_138, %get3A_139, %get3A_140, %get3A_141] : memref<1x1x1x32xi32, #tpu.memory_space<smem>>
    %get3A_143 = arith.constant 0 : index
    %get3A_144 = arith.index_cast %get3A_142 : i32 to index
    %get3A_145 = arith.constant 0 : index
    %get3A_146 = arith.constant 0 : index
    %get3A_147 = vector.load %arg4[%get3A_143, %get3A_144, %get3A_145, %get3A_146] : memref<1x784x12x64xf32, #tpu.memory_space<vmem>>, vector<1x1x12x64xf32>
    %get3A_148 = vector.shape_cast %get3A_147 : vector<1x1x12x64xf32> to vector<12x64xf32>
    %get3A_149 = arith.constant 0 : index
    %get3A_150 = arith.constant 0 : index
    %get3A_151 = arith.constant 0 : index
    %get3A_152 = arith.constant 7 : index
    %get3A_153 = memref.load %arg2[%get3A_149, %get3A_150, %get3A_151, %get3A_152] : memref<1x1x1x32xi32, #tpu.memory_space<smem>>
    %get3A_154 = arith.constant 0 : index
    %get3A_155 = arith.index_cast %get3A_153 : i32 to index
    %get3A_156 = arith.constant 0 : index
    %get3A_157 = arith.constant 0 : index
    %get3A_158 = vector.load %arg4[%get3A_154, %get3A_155, %get3A_156, %get3A_157] : memref<1x784x12x64xf32, #tpu.memory_space<vmem>>, vector<1x1x12x64xf32>
    %get3A_159 = vector.shape_cast %get3A_158 : vector<1x1x12x64xf32> to vector<12x64xf32>
    %concatenate3A_160 = tpu.concatenate %get3A_126, %get3A_137, %get3A_148, %get3A_159 in 1 : vector<12x64xf32>, vector<12x64xf32>, vector<12x64xf32>, vector<12x64xf32> -> vector<12x256xf32>
    %get3A_161 = arith.constant 0 : index
    %get3A_162 = arith.constant 0 : index
    %get3A_163 = arith.constant 0 : index
    %get3A_164 = arith.constant 4 : index
    %get3A_165 = memref.load %arg2[%get3A_161, %get3A_162, %get3A_163, %get3A_164] : memref<1x1x1x32xi32, #tpu.memory_space<smem>>
    %get3A_166 = arith.constant 0 : index
    %get3A_167 = arith.index_cast %get3A_165 : i32 to index
    %get3A_168 = arith.constant 0 : index
    %get3A_169 = arith.constant 0 : index
    %get3A_170 = vector.load %arg5[%get3A_166, %get3A_167, %get3A_168, %get3A_169] : memref<1x784x12x64xf32, #tpu.memory_space<vmem>>, vector<1x1x12x64xf32>
    %get3A_171 = vector.shape_cast %get3A_170 : vector<1x1x12x64xf32> to vector<12x64xf32>
    %get3A_172 = arith.constant 0 : index
    %get3A_173 = arith.constant 0 : index
    %get3A_174 = arith.constant 0 : index
    %get3A_175 = arith.constant 5 : index
    %get3A_176 = memref.load %arg2[%get3A_172, %get3A_173, %get3A_174, %get3A_175] : memref<1x1x1x32xi32, #tpu.memory_space<smem>>
    %get3A_177 = arith.constant 0 : index
    %get3A_178 = arith.index_cast %get3A_176 : i32 to index
    %get3A_179 = arith.constant 0 : index
    %get3A_180 = arith.constant 0 : index
    %get3A_181 = vector.load %arg5[%get3A_177, %get3A_178, %get3A_179, %get3A_180] : memref<1x784x12x64xf32, #tpu.memory_space<vmem>>, vector<1x1x12x64xf32>
    %get3A_182 = vector.shape_cast %get3A_181 : vector<1x1x12x64xf32> to vector<12x64xf32>
    %get3A_183 = arith.constant 0 : index
    %get3A_184 = arith.constant 0 : index
    %get3A_185 = arith.constant 0 : index
    %get3A_186 = arith.constant 6 : index
    %get3A_187 = memref.load %arg2[%get3A_183, %get3A_184, %get3A_185, %get3A_186] : memref<1x1x1x32xi32, #tpu.memory_space<smem>>
    %get3A_188 = arith.constant 0 : index
    %get3A_189 = arith.index_cast %get3A_187 : i32 to index
    %get3A_190 = arith.constant 0 : index
    %get3A_191 = arith.constant 0 : index
    %get3A_192 = vector.load %arg5[%get3A_188, %get3A_189, %get3A_190, %get3A_191] : memref<1x784x12x64xf32, #tpu.memory_space<vmem>>, vector<1x1x12x64xf32>
    %get3A_193 = vector.shape_cast %get3A_192 : vector<1x1x12x64xf32> to vector<12x64xf32>
    %get3A_194 = arith.constant 0 : index
    %get3A_195 = arith.constant 0 : index
    %get3A_196 = arith.constant 0 : index
    %get3A_197 = arith.constant 7 : index
    %get3A_198 = memref.load %arg2[%get3A_194, %get3A_195, %get3A_196, %get3A_197] : memref<1x1x1x32xi32, #tpu.memory_space<smem>>
    %get3A_199 = arith.constant 0 : index
    %get3A_200 = arith.index_cast %get3A_198 : i32 to index
    %get3A_201 = arith.constant 0 : index
    %get3A_202 = arith.constant 0 : index
    %get3A_203 = vector.load %arg5[%get3A_199, %get3A_200, %get3A_201, %get3A_202] : memref<1x784x12x64xf32, #tpu.memory_space<vmem>>, vector<1x1x12x64xf32>
    %get3A_204 = vector.shape_cast %get3A_203 : vector<1x1x12x64xf32> to vector<12x64xf32>
    %concatenate3A_205 = tpu.concatenate %get3A_171, %get3A_182, %get3A_193, %get3A_204 in 1 : vector<12x64xf32>, vector<12x64xf32>, vector<12x64xf32>, vector<12x64xf32> -> vector<12x256xf32>
    %dot_general3A_206 = arith.constant dense<0.000000e+00> : vector<64x256xf32>
    %dot_general3A_207 = tpu.matmul %get3A_115, %concatenate3A_160, %dot_general3A_206 {dimension_numbers = #tpu.dot_dimension_numbers<[0], [0], [1], [1], [0, 1, 1, 1], [], []>, transpose_lhs_hint = false} : vector<12x64xf32>, vector<12x256xf32>, vector<64x256xf32> -> vector<64x256xf32>
    %mul3A_208 = arith.constant 0.288675129 : f32
    %mul3A_209 = vector.broadcast %mul3A_208 : f32 to vector<64x256xf32>
    %mul3A_210 = arith.mulf %dot_general3A_207, %mul3A_209 : vector<64x256xf32>
    %reduce_max3A_211 = arith.constant dense<0xFF800000> : vector<64xf32>
    %reduce_max3A_212 = vector.multi_reduction <maximumf>, %mul3A_210, %reduce_max3A_211 [1] : vector<64x256xf32> to vector<64xf32>
    %broadcast_in_dim3A_213 = vector.shape_cast %reduce_max3A_212 : vector<64xf32> to vector<64x1xf32>
    %sub3A_214 = vector.broadcast %broadcast_in_dim3A_213 : vector<64x1xf32> to vector<64x256xf32>
    %sub3A_215 = arith.subf %mul3A_210, %sub3A_214 : vector<64x256xf32>
    %exp3A_216 = math.exp %sub3A_215 : vector<64x256xf32>
    %reduce_sum3A_217 = arith.constant dense<0.000000e+00> : vector<64xf32>
    %reduce_sum3A_218 = vector.multi_reduction <add>, %exp3A_216, %reduce_sum3A_217 [1] : vector<64x256xf32> to vector<64xf32>
    %broadcast_in_dim3A_219 = vector.shape_cast %reduce_sum3A_218 : vector<64xf32> to vector<64x1xf32>
    %div3A_220 = vector.broadcast %broadcast_in_dim3A_219 : vector<64x1xf32> to vector<64x256xf32>
    %div3A_221 = arith.divf %exp3A_216, %div3A_220 : vector<64x256xf32>
    %dot_general3A_222 = arith.constant dense<0.000000e+00> : vector<12x64xf32>
    %dot_general3A_223 = tpu.matmul %concatenate3A_205, %div3A_221, %dot_general3A_222 {dimension_numbers = #tpu.dot_dimension_numbers<[1], [1], [0], [0], [0, 0, 1, 0], [], []>, transpose_lhs_hint = false} : vector<12x256xf32>, vector<64x256xf32>, vector<12x64xf32> -> vector<12x64xf32>
    %swap3A_224 = arith.constant 0 : index
    %swap3A_225 = arith.constant 1 : index
    %swap3A_226 = arith.constant 0 : index
    %swap3A_227 = arith.constant 0 : index
    %swap3A_228 = vector.load %arg6[%swap3A_224, %swap3A_225, %swap3A_226, %swap3A_227] : memref<1x8x12x64xf32, #tpu.memory_space<vmem>>, vector<1x1x12x64xf32>
    %swap3A_229 = vector.shape_cast %swap3A_228 : vector<1x1x12x64xf32> to vector<12x64xf32>
    %swap3A_230 = vector.shape_cast %dot_general3A_223 : vector<12x64xf32> to vector<1x1x12x64xf32>
    tpu.vector_store %arg6[%swap3A_224, %swap3A_225, %swap3A_226, %swap3A_227], %swap3A_230 {strides = array<i32>} : memref<1x8x12x64xf32, #tpu.memory_space<vmem>>, vector<1x1x12x64xf32>,
    %get3A_231 = arith.constant 0 : index
    %get3A_232 = arith.constant 2 : index
    %get3A_233 = arith.constant 0 : index
    %get3A_234 = arith.constant 0 : index
    %get3A_235 = vector.load %arg3[%get3A_231, %get3A_232, %get3A_233, %get3A_234] : memref<1x8x12x64xf32, #tpu.memory_space<vmem>>, vector<1x1x12x64xf32>
    %get3A_236 = vector.shape_cast %get3A_235 : vector<1x1x12x64xf32> to vector<12x64xf32>
    %get3A_237 = arith.constant 0 : index
    %get3A_238 = arith.constant 0 : index
    %get3A_239 = arith.constant 0 : index
    %get3A_240 = arith.constant 8 : index
    %get3A_241 = memref.load %arg2[%get3A_237, %get3A_238, %get3A_239, %get3A_240] : memref<1x1x1x32xi32, #tpu.memory_space<smem>>
    %get3A_242 = arith.constant 0 : index
    %get3A_243 = arith.index_cast %get3A_241 : i32 to index
    %get3A_244 = arith.constant 0 : index
    %get3A_245 = arith.constant 0 : index
    %get3A_246 = vector.load %arg4[%get3A_242, %get3A_243, %get3A_244, %get3A_245] : memref<1x784x12x64xf32, #tpu.memory_space<vmem>>, vector<1x1x12x64xf32>
    %get3A_247 = vector.shape_cast %get3A_246 : vector<1x1x12x64xf32> to vector<12x64xf32>
    %get3A_248 = arith.constant 0 : index
    %get3A_249 = arith.constant 0 : index
    %get3A_250 = arith.constant 0 : index
    %get3A_251 = arith.constant 9 : index
    %get3A_252 = memref.load %arg2[%get3A_248, %get3A_249, %get3A_250, %get3A_251] : memref<1x1x1x32xi32, #tpu.memory_space<smem>>
    %get3A_253 = arith.constant 0 : index
    %get3A_254 = arith.index_cast %get3A_252 : i32 to index
    %get3A_255 = arith.constant 0 : index
    %get3A_256 = arith.constant 0 : index
    %get3A_257 = vector.load %arg4[%get3A_253, %get3A_254, %get3A_255, %get3A_256] : memref<1x784x12x64xf32, #tpu.memory_space<vmem>>, vector<1x1x12x64xf32>
    %get3A_258 = vector.shape_cast %get3A_257 : vector<1x1x12x64xf32> to vector<12x64xf32>
    %get3A_259 = arith.constant 0 : index
    %get3A_260 = arith.constant 0 : index
    %get3A_261 = arith.constant 0 : index
    %get3A_262 = arith.constant 10 : index
    %get3A_263 = memref.load %arg2[%get3A_259, %get3A_260, %get3A_261, %get3A_262] : memref<1x1x1x32xi32, #tpu.memory_space<smem>>
    %get3A_264 = arith.constant 0 : index
    %get3A_265 = arith.index_cast %get3A_263 : i32 to index
    %get3A_266 = arith.constant 0 : index
    %get3A_267 = arith.constant 0 : index
    %get3A_268 = vector.load %arg4[%get3A_264, %get3A_265, %get3A_266, %get3A_267] : memref<1x784x12x64xf32, #tpu.memory_space<vmem>>, vector<1x1x12x64xf32>
    %get3A_269 = vector.shape_cast %get3A_268 : vector<1x1x12x64xf32> to vector<12x64xf32>
    %get3A_270 = arith.constant 0 : index
    %get3A_271 = arith.constant 0 : index
    %get3A_272 = arith.constant 0 : index
    %get3A_273 = arith.constant 11 : index
    %get3A_274 = memref.load %arg2[%get3A_270, %get3A_271, %get3A_272, %get3A_273] : memref<1x1x1x32xi32, #tpu.memory_space<smem>>
    %get3A_275 = arith.constant 0 : index
    %get3A_276 = arith.index_cast %get3A_274 : i32 to index
    %get3A_277 = arith.constant 0 : index
    %get3A_278 = arith.constant 0 : index
    %get3A_279 = vector.load %arg4[%get3A_275, %get3A_276, %get3A_277, %get3A_278] : memref<1x784x12x64xf32, #tpu.memory_space<vmem>>, vector<1x1x12x64xf32>
    %get3A_280 = vector.shape_cast %get3A_279 : vector<1x1x12x64xf32> to vector<12x64xf32>
    %concatenate3A_281 = tpu.concatenate %get3A_247, %get3A_258, %get3A_269, %get3A_280 in 1 : vector<12x64xf32>, vector<12x64xf32>, vector<12x64xf32>, vector<12x64xf32> -> vector<12x256xf32>
    %get3A_282 = arith.constant 0 : index
    %get3A_283 = arith.constant 0 : index
    %get3A_284 = arith.constant 0 : index
    %get3A_285 = arith.constant 8 : index
    %get3A_286 = memref.load %arg2[%get3A_282, %get3A_283, %get3A_284, %get3A_285] : memref<1x1x1x32xi32, #tpu.memory_space<smem>>
    %get3A_287 = arith.constant 0 : index
    %get3A_288 = arith.index_cast %get3A_286 : i32 to index
    %get3A_289 = arith.constant 0 : index
    %get3A_290 = arith.constant 0 : index
    %get3A_291 = vector.load %arg5[%get3A_287, %get3A_288, %get3A_289, %get3A_290] : memref<1x784x12x64xf32, #tpu.memory_space<vmem>>, vector<1x1x12x64xf32>
    %get3A_292 = vector.shape_cast %get3A_291 : vector<1x1x12x64xf32> to vector<12x64xf32>
    %get3A_293 = arith.constant 0 : index
    %get3A_294 = arith.constant 0 : index
    %get3A_295 = arith.constant 0 : index
    %get3A_296 = arith.constant 9 : index
    %get3A_297 = memref.load %arg2[%get3A_293, %get3A_294, %get3A_295, %get3A_296] : memref<1x1x1x32xi32, #tpu.memory_space<smem>>
    %get3A_298 = arith.constant 0 : index
    %get3A_299 = arith.index_cast %get3A_297 : i32 to index
    %get3A_300 = arith.constant 0 : index
    %get3A_301 = arith.constant 0 : index
    %get3A_302 = vector.load %arg5[%get3A_298, %get3A_299, %get3A_300, %get3A_301] : memref<1x784x12x64xf32, #tpu.memory_space<vmem>>, vector<1x1x12x64xf32>
    %get3A_303 = vector.shape_cast %get3A_302 : vector<1x1x12x64xf32> to vector<12x64xf32>
    %get3A_304 = arith.constant 0 : index
    %get3A_305 = arith.constant 0 : index
    %get3A_306 = arith.constant 0 : index
    %get3A_307 = arith.constant 10 : index
    %get3A_308 = memref.load %arg2[%get3A_304, %get3A_305, %get3A_306, %get3A_307] : memref<1x1x1x32xi32, #tpu.memory_space<smem>>
    %get3A_309 = arith.constant 0 : index
    %get3A_310 = arith.index_cast %get3A_308 : i32 to index
    %get3A_311 = arith.constant 0 : index
    %get3A_312 = arith.constant 0 : index
    %get3A_313 = vector.load %arg5[%get3A_309, %get3A_310, %get3A_311, %get3A_312] : memref<1x784x12x64xf32, #tpu.memory_space<vmem>>, vector<1x1x12x64xf32>
    %get3A_314 = vector.shape_cast %get3A_313 : vector<1x1x12x64xf32> to vector<12x64xf32>
    %get3A_315 = arith.constant 0 : index
    %get3A_316 = arith.constant 0 : index
    %get3A_317 = arith.constant 0 : index
    %get3A_318 = arith.constant 11 : index
    %get3A_319 = memref.load %arg2[%get3A_315, %get3A_316, %get3A_317, %get3A_318] : memref<1x1x1x32xi32, #tpu.memory_space<smem>>
    %get3A_320 = arith.constant 0 : index
    %get3A_321 = arith.index_cast %get3A_319 : i32 to index
    %get3A_322 = arith.constant 0 : index
    %get3A_323 = arith.constant 0 : index
    %get3A_324 = vector.load %arg5[%get3A_320, %get3A_321, %get3A_322, %get3A_323] : memref<1x784x12x64xf32, #tpu.memory_space<vmem>>, vector<1x1x12x64xf32>
    %get3A_325 = vector.shape_cast %get3A_324 : vector<1x1x12x64xf32> to vector<12x64xf32>
    %concatenate3A_326 = tpu.concatenate %get3A_292, %get3A_303, %get3A_314, %get3A_325 in 1 : vector<12x64xf32>, vector<12x64xf32>, vector<12x64xf32>, vector<12x64xf32> -> vector<12x256xf32>
    %dot_general3A_327 = arith.constant dense<0.000000e+00> : vector<64x256xf32>
    %dot_general3A_328 = tpu.matmul %get3A_236, %concatenate3A_281, %dot_general3A_327 {dimension_numbers = #tpu.dot_dimension_numbers<[0], [0], [1], [1], [0, 1, 1, 1], [], []>, transpose_lhs_hint = false} : vector<12x64xf32>, vector<12x256xf32>, vector<64x256xf32> -> vector<64x256xf32>
    %mul3A_329 = arith.constant 0.288675129 : f32
    %mul3A_330 = vector.broadcast %mul3A_329 : f32 to vector<64x256xf32>
    %mul3A_331 = arith.mulf %dot_general3A_328, %mul3A_330 : vector<64x256xf32>
    %reduce_max3A_332 = arith.constant dense<0xFF800000> : vector<64xf32>
    %reduce_max3A_333 = vector.multi_reduction <maximumf>, %mul3A_331, %reduce_max3A_332 [1] : vector<64x256xf32> to vector<64xf32>
    %broadcast_in_dim3A_334 = vector.shape_cast %reduce_max3A_333 : vector<64xf32> to vector<64x1xf32>
    %sub3A_335 = vector.broadcast %broadcast_in_dim3A_334 : vector<64x1xf32> to vector<64x256xf32>
    %sub3A_336 = arith.subf %mul3A_331, %sub3A_335 : vector<64x256xf32>
    %exp3A_337 = math.exp %sub3A_336 : vector<64x256xf32>
    %reduce_sum3A_338 = arith.constant dense<0.000000e+00> : vector<64xf32>
    %reduce_sum3A_339 = vector.multi_reduction <add>, %exp3A_337, %reduce_sum3A_338 [1] : vector<64x256xf32> to vector<64xf32>
    %broadcast_in_dim3A_340 = vector.shape_cast %reduce_sum3A_339 : vector<64xf32> to vector<64x1xf32>
    %div3A_341 = vector.broadcast %broadcast_in_dim3A_340 : vector<64x1xf32> to vector<64x256xf32>
    %div3A_342 = arith.divf %exp3A_337, %div3A_341 : vector<64x256xf32>
    %dot_general3A_343 = arith.constant dense<0.000000e+00> : vector<12x64xf32>
    %dot_general3A_344 = tpu.matmul %concatenate3A_326, %div3A_342, %dot_general3A_343 {dimension_numbers = #tpu.dot_dimension_numbers<[1], [1], [0], [0], [0, 0, 1, 0], [], []>, transpose_lhs_hint = false} : vector<12x256xf32>, vector<64x256xf32>, vector<12x64xf32> -> vector<12x64xf32>
    %swap3A_345 = arith.constant 0 : index
    %swap3A_346 = arith.constant 2 : index
    %swap3A_347 = arith.constant 0 : index
    %swap3A_348 = arith.constant 0 : index
    %swap3A_349 = vector.load %arg6[%swap3A_345, %swap3A_346, %swap3A_347, %swap3A_348] : memref<1x8x12x64xf32, #tpu.memory_space<vmem>>, vector<1x1x12x64xf32>
    %swap3A_350 = vector.shape_cast %swap3A_349 : vector<1x1x12x64xf32> to vector<12x64xf32>
    %swap3A_351 = vector.shape_cast %dot_general3A_344 : vector<12x64xf32> to vector<1x1x12x64xf32>
    tpu.vector_store %arg6[%swap3A_345, %swap3A_346, %swap3A_347, %swap3A_348], %swap3A_351 {strides = array<i32>} : memref<1x8x12x64xf32, #tpu.memory_space<vmem>>, vector<1x1x12x64xf32>,
    %get3A_352 = arith.constant 0 : index
    %get3A_353 = arith.constant 3 : index
    %get3A_354 = arith.constant 0 : index
    %get3A_355 = arith.constant 0 : index
    %get3A_356 = vector.load %arg3[%get3A_352, %get3A_353, %get3A_354, %get3A_355] : memref<1x8x12x64xf32, #tpu.memory_space<vmem>>, vector<1x1x12x64xf32>
    %get3A_357 = vector.shape_cast %get3A_356 : vector<1x1x12x64xf32> to vector<12x64xf32>
    %get3A_358 = arith.constant 0 : index
    %get3A_359 = arith.constant 0 : index
    %get3A_360 = arith.constant 0 : index
    %get3A_361 = arith.constant 12 : index
    %get3A_362 = memref.load %arg2[%get3A_358, %get3A_359, %get3A_360, %get3A_361] : memref<1x1x1x32xi32, #tpu.memory_space<smem>>
    %get3A_363 = arith.constant 0 : index
    %get3A_364 = arith.index_cast %get3A_362 : i32 to index
    %get3A_365 = arith.constant 0 : index
    %get3A_366 = arith.constant 0 : index
    %get3A_367 = vector.load %arg4[%get3A_363, %get3A_364, %get3A_365, %get3A_366] : memref<1x784x12x64xf32, #tpu.memory_space<vmem>>, vector<1x1x12x64xf32>
    %get3A_368 = vector.shape_cast %get3A_367 : vector<1x1x12x64xf32> to vector<12x64xf32>
    %get3A_369 = arith.constant 0 : index
    %get3A_370 = arith.constant 0 : index
    %get3A_371 = arith.constant 0 : index
    %get3A_372 = arith.constant 13 : index
    %get3A_373 = memref.load %arg2[%get3A_369, %get3A_370, %get3A_371, %get3A_372] : memref<1x1x1x32xi32, #tpu.memory_space<smem>>
    %get3A_374 = arith.constant 0 : index
    %get3A_375 = arith.index_cast %get3A_373 : i32 to index
    %get3A_376 = arith.constant 0 : index
    %get3A_377 = arith.constant 0 : index
    %get3A_378 = vector.load %arg4[%get3A_374, %get3A_375, %get3A_376, %get3A_377] : memref<1x784x12x64xf32, #tpu.memory_space<vmem>>, vector<1x1x12x64xf32>
    %get3A_379 = vector.shape_cast %get3A_378 : vector<1x1x12x64xf32> to vector<12x64xf32>
    %get3A_380 = arith.constant 0 : index
    %get3A_381 = arith.constant 0 : index
    %get3A_382 = arith.constant 0 : index
    %get3A_383 = arith.constant 14 : index
    %get3A_384 = memref.load %arg2[%get3A_380, %get3A_381, %get3A_382, %get3A_383] : memref<1x1x1x32xi32, #tpu.memory_space<smem>>
    %get3A_385 = arith.constant 0 : index
    %get3A_386 = arith.index_cast %get3A_384 : i32 to index
    %get3A_387 = arith.constant 0 : index
    %get3A_388 = arith.constant 0 : index
    %get3A_389 = vector.load %arg4[%get3A_385, %get3A_386, %get3A_387, %get3A_388] : memref<1x784x12x64xf32, #tpu.memory_space<vmem>>, vector<1x1x12x64xf32>
    %get3A_390 = vector.shape_cast %get3A_389 : vector<1x1x12x64xf32> to vector<12x64xf32>
    %get3A_391 = arith.constant 0 : index
    %get3A_392 = arith.constant 0 : index
    %get3A_393 = arith.constant 0 : index
    %get3A_394 = arith.constant 15 : index
    %get3A_395 = memref.load %arg2[%get3A_391, %get3A_392, %get3A_393, %get3A_394] : memref<1x1x1x32xi32, #tpu.memory_space<smem>>
    %get3A_396 = arith.constant 0 : index
    %get3A_397 = arith.index_cast %get3A_395 : i32 to index
    %get3A_398 = arith.constant 0 : index
    %get3A_399 = arith.constant 0 : index
    %get3A_400 = vector.load %arg4[%get3A_396, %get3A_397, %get3A_398, %get3A_399] : memref<1x784x12x64xf32, #tpu.memory_space<vmem>>, vector<1x1x12x64xf32>
    %get3A_401 = vector.shape_cast %get3A_400 : vector<1x1x12x64xf32> to vector<12x64xf32>
    %concatenate3A_402 = tpu.concatenate %get3A_368, %get3A_379, %get3A_390, %get3A_401 in 1 : vector<12x64xf32>, vector<12x64xf32>, vector<12x64xf32>, vector<12x64xf32> -> vector<12x256xf32>
    %get3A_403 = arith.constant 0 : index
    %get3A_404 = arith.constant 0 : index
    %get3A_405 = arith.constant 0 : index
    %get3A_406 = arith.constant 12 : index
    %get3A_407 = memref.load %arg2[%get3A_403, %get3A_404, %get3A_405, %get3A_406] : memref<1x1x1x32xi32, #tpu.memory_space<smem>>
    %get3A_408 = arith.constant 0 : index
    %get3A_409 = arith.index_cast %get3A_407 : i32 to index
    %get3A_410 = arith.constant 0 : index
    %get3A_411 = arith.constant 0 : index
    %get3A_412 = vector.load %arg5[%get3A_408, %get3A_409, %get3A_410, %get3A_411] : memref<1x784x12x64xf32, #tpu.memory_space<vmem>>, vector<1x1x12x64xf32>
    %get3A_413 = vector.shape_cast %get3A_412 : vector<1x1x12x64xf32> to vector<12x64xf32>
    %get3A_414 = arith.constant 0 : index
    %get3A_415 = arith.constant 0 : index
    %get3A_416 = arith.constant 0 : index
    %get3A_417 = arith.constant 13 : index
    %get3A_418 = memref.load %arg2[%get3A_414, %get3A_415, %get3A_416, %get3A_417] : memref<1x1x1x32xi32, #tpu.memory_space<smem>>
    %get3A_419 = arith.constant 0 : index
    %get3A_420 = arith.index_cast %get3A_418 : i32 to index
    %get3A_421 = arith.constant 0 : index
    %get3A_422 = arith.constant 0 : index
    %get3A_423 = vector.load %arg5[%get3A_419, %get3A_420, %get3A_421, %get3A_422] : memref<1x784x12x64xf32, #tpu.memory_space<vmem>>, vector<1x1x12x64xf32>
    %get3A_424 = vector.shape_cast %get3A_423 : vector<1x1x12x64xf32> to vector<12x64xf32>
    %get3A_425 = arith.constant 0 : index
    %get3A_426 = arith.constant 0 : index
    %get3A_427 = arith.constant 0 : index
    %get3A_428 = arith.constant 14 : index
    %get3A_429 = memref.load %arg2[%get3A_425, %get3A_426, %get3A_427, %get3A_428] : memref<1x1x1x32xi32, #tpu.memory_space<smem>>
    %get3A_430 = arith.constant 0 : index
    %get3A_431 = arith.index_cast %get3A_429 : i32 to index
    %get3A_432 = arith.constant 0 : index
    %get3A_433 = arith.constant 0 : index
    %get3A_434 = vector.load %arg5[%get3A_430, %get3A_431, %get3A_432, %get3A_433] : memref<1x784x12x64xf32, #tpu.memory_space<vmem>>, vector<1x1x12x64xf32>
    %get3A_435 = vector.shape_cast %get3A_434 : vector<1x1x12x64xf32> to vector<12x64xf32>
    %get3A_436 = arith.constant 0 : index
    %get3A_437 = arith.constant 0 : index
    %get3A_438 = arith.constant 0 : index
    %get3A_439 = arith.constant 15 : index
    %get3A_440 = memref.load %arg2[%get3A_436, %get3A_437, %get3A_438, %get3A_439] : memref<1x1x1x32xi32, #tpu.memory_space<smem>>
    %get3A_441 = arith.constant 0 : index
    %get3A_442 = arith.index_cast %get3A_440 : i32 to index
    %get3A_443 = arith.constant 0 : index
    %get3A_444 = arith.constant 0 : index
    %get3A_445 = vector.load %arg5[%get3A_441, %get3A_442, %get3A_443, %get3A_444] : memref<1x784x12x64xf32, #tpu.memory_space<vmem>>, vector<1x1x12x64xf32>
    %get3A_446 = vector.shape_cast %get3A_445 : vector<1x1x12x64xf32> to vector<12x64xf32>
    %concatenate3A_447 = tpu.concatenate %get3A_413, %get3A_424, %get3A_435, %get3A_446 in 1 : vector<12x64xf32>, vector<12x64xf32>, vector<12x64xf32>, vector<12x64xf32> -> vector<12x256xf32>
    %dot_general3A_448 = arith.constant dense<0.000000e+00> : vector<64x256xf32>
    %dot_general3A_449 = tpu.matmul %get3A_357, %concatenate3A_402, %dot_general3A_448 {dimension_numbers = #tpu.dot_dimension_numbers<[0], [0], [1], [1], [0, 1, 1, 1], [], []>, transpose_lhs_hint = false} : vector<12x64xf32>, vector<12x256xf32>, vector<64x256xf32> -> vector<64x256xf32>
    %mul3A_450 = arith.constant 0.288675129 : f32
    %mul3A_451 = vector.broadcast %mul3A_450 : f32 to vector<64x256xf32>
    %mul3A_452 = arith.mulf %dot_general3A_449, %mul3A_451 : vector<64x256xf32>
    %reduce_max3A_453 = arith.constant dense<0xFF800000> : vector<64xf32>
    %reduce_max3A_454 = vector.multi_reduction <maximumf>, %mul3A_452, %reduce_max3A_453 [1] : vector<64x256xf32> to vector<64xf32>
    %broadcast_in_dim3A_455 = vector.shape_cast %reduce_max3A_454 : vector<64xf32> to vector<64x1xf32>
    %sub3A_456 = vector.broadcast %broadcast_in_dim3A_455 : vector<64x1xf32> to vector<64x256xf32>
    %sub3A_457 = arith.subf %mul3A_452, %sub3A_456 : vector<64x256xf32>
    %exp3A_458 = math.exp %sub3A_457 : vector<64x256xf32>
    %reduce_sum3A_459 = arith.constant dense<0.000000e+00> : vector<64xf32>
    %reduce_sum3A_460 = vector.multi_reduction <add>, %exp3A_458, %reduce_sum3A_459 [1] : vector<64x256xf32> to vector<64xf32>
    %broadcast_in_dim3A_461 = vector.shape_cast %reduce_sum3A_460 : vector<64xf32> to vector<64x1xf32>
    %div3A_462 = vector.broadcast %broadcast_in_dim3A_461 : vector<64x1xf32> to vector<64x256xf32>
    %div3A_463 = arith.divf %exp3A_458, %div3A_462 : vector<64x256xf32>
    %dot_general3A_464 = arith.constant dense<0.000000e+00> : vector<12x64xf32>
    %dot_general3A_465 = tpu.matmul %concatenate3A_447, %div3A_463, %dot_general3A_464 {dimension_numbers = #tpu.dot_dimension_numbers<[1], [1], [0], [0], [0, 0, 1, 0], [], []>, transpose_lhs_hint = false} : vector<12x256xf32>, vector<64x256xf32>, vector<12x64xf32> -> vector<12x64xf32>
    %swap3A_466 = arith.constant 0 : index
    %swap3A_467 = arith.constant 3 : index
    %swap3A_468 = arith.constant 0 : index
    %swap3A_469 = arith.constant 0 : index
    %swap3A_470 = vector.load %arg6[%swap3A_466, %swap3A_467, %swap3A_468, %swap3A_469] : memref<1x8x12x64xf32, #tpu.memory_space<vmem>>, vector<1x1x12x64xf32>
    %swap3A_471 = vector.shape_cast %swap3A_470 : vector<1x1x12x64xf32> to vector<12x64xf32>
    %swap3A_472 = vector.shape_cast %dot_general3A_465 : vector<12x64xf32> to vector<1x1x12x64xf32>
    tpu.vector_store %arg6[%swap3A_466, %swap3A_467, %swap3A_468, %swap3A_469], %swap3A_472 {strides = array<i32>} : memref<1x8x12x64xf32, #tpu.memory_space<vmem>>, vector<1x1x12x64xf32>,
    %get3A_473 = arith.constant 0 : index
    %get3A_474 = arith.constant 4 : index
    %get3A_475 = arith.constant 0 : index
    %get3A_476 = arith.constant 0 : index
    %get3A_477 = vector.load %arg3[%get3A_473, %get3A_474, %get3A_475, %get3A_476] : memref<1x8x12x64xf32, #tpu.memory_space<vmem>>, vector<1x1x12x64xf32>
    %get3A_478 = vector.shape_cast %get3A_477 : vector<1x1x12x64xf32> to vector<12x64xf32>
    %get3A_479 = arith.constant 0 : index
    %get3A_480 = arith.constant 0 : index
    %get3A_481 = arith.constant 0 : index
    %get3A_482 = arith.constant 16 : index
    %get3A_483 = memref.load %arg2[%get3A_479, %get3A_480, %get3A_481, %get3A_482] : memref<1x1x1x32xi32, #tpu.memory_space<smem>>
    %get3A_484 = arith.constant 0 : index
    %get3A_485 = arith.index_cast %get3A_483 : i32 to index
    %get3A_486 = arith.constant 0 : index
    %get3A_487 = arith.constant 0 : index
    %get3A_488 = vector.load %arg4[%get3A_484, %get3A_485, %get3A_486, %get3A_487] : memref<1x784x12x64xf32, #tpu.memory_space<vmem>>, vector<1x1x12x64xf32>
    %get3A_489 = vector.shape_cast %get3A_488 : vector<1x1x12x64xf32> to vector<12x64xf32>
    %get3A_490 = arith.constant 0 : index
    %get3A_491 = arith.constant 0 : index
    %get3A_492 = arith.constant 0 : index
    %get3A_493 = arith.constant 17 : index
    %get3A_494 = memref.load %arg2[%get3A_490, %get3A_491, %get3A_492, %get3A_493] : memref<1x1x1x32xi32, #tpu.memory_space<smem>>
    %get3A_495 = arith.constant 0 : index
    %get3A_496 = arith.index_cast %get3A_494 : i32 to index
    %get3A_497 = arith.constant 0 : index
    %get3A_498 = arith.constant 0 : index
    %get3A_499 = vector.load %arg4[%get3A_495, %get3A_496, %get3A_497, %get3A_498] : memref<1x784x12x64xf32, #tpu.memory_space<vmem>>, vector<1x1x12x64xf32>
    %get3A_500 = vector.shape_cast %get3A_499 : vector<1x1x12x64xf32> to vector<12x64xf32>
    %get3A_501 = arith.constant 0 : index
    %get3A_502 = arith.constant 0 : index
    %get3A_503 = arith.constant 0 : index
    %get3A_504 = arith.constant 18 : index
    %get3A_505 = memref.load %arg2[%get3A_501, %get3A_502, %get3A_503, %get3A_504] : memref<1x1x1x32xi32, #tpu.memory_space<smem>>
    %get3A_506 = arith.constant 0 : index
    %get3A_507 = arith.index_cast %get3A_505 : i32 to index
    %get3A_508 = arith.constant 0 : index
    %get3A_509 = arith.constant 0 : index
    %get3A_510 = vector.load %arg4[%get3A_506, %get3A_507, %get3A_508, %get3A_509] : memref<1x784x12x64xf32, #tpu.memory_space<vmem>>, vector<1x1x12x64xf32>
    %get3A_511 = vector.shape_cast %get3A_510 : vector<1x1x12x64xf32> to vector<12x64xf32>
    %get3A_512 = arith.constant 0 : index
    %get3A_513 = arith.constant 0 : index
    %get3A_514 = arith.constant 0 : index
    %get3A_515 = arith.constant 19 : index
    %get3A_516 = memref.load %arg2[%get3A_512, %get3A_513, %get3A_514, %get3A_515] : memref<1x1x1x32xi32, #tpu.memory_space<smem>>
    %get3A_517 = arith.constant 0 : index
    %get3A_518 = arith.index_cast %get3A_516 : i32 to index
    %get3A_519 = arith.constant 0 : index
    %get3A_520 = arith.constant 0 : index
    %get3A_521 = vector.load %arg4[%get3A_517, %get3A_518, %get3A_519, %get3A_520] : memref<1x784x12x64xf32, #tpu.memory_space<vmem>>, vector<1x1x12x64xf32>
    %get3A_522 = vector.shape_cast %get3A_521 : vector<1x1x12x64xf32> to vector<12x64xf32>
    %concatenate3A_523 = tpu.concatenate %get3A_489, %get3A_500, %get3A_511, %get3A_522 in 1 : vector<12x64xf32>, vector<12x64xf32>, vector<12x64xf32>, vector<12x64xf32> -> vector<12x256xf32>
    %get3A_524 = arith.constant 0 : index
    %get3A_525 = arith.constant 0 : index
    %get3A_526 = arith.constant 0 : index
    %get3A_527 = arith.constant 16 : index
    %get3A_528 = memref.load %arg2[%get3A_524, %get3A_525, %get3A_526, %get3A_527] : memref<1x1x1x32xi32, #tpu.memory_space<smem>>
    %get3A_529 = arith.constant 0 : index
    %get3A_530 = arith.index_cast %get3A_528 : i32 to index
    %get3A_531 = arith.constant 0 : index
    %get3A_532 = arith.constant 0 : index
    %get3A_533 = vector.load %arg5[%get3A_529, %get3A_530, %get3A_531, %get3A_532] : memref<1x784x12x64xf32, #tpu.memory_space<vmem>>, vector<1x1x12x64xf32>
    %get3A_534 = vector.shape_cast %get3A_533 : vector<1x1x12x64xf32> to vector<12x64xf32>
    %get3A_535 = arith.constant 0 : index
    %get3A_536 = arith.constant 0 : index
    %get3A_537 = arith.constant 0 : index
    %get3A_538 = arith.constant 17 : index
    %get3A_539 = memref.load %arg2[%get3A_535, %get3A_536, %get3A_537, %get3A_538] : memref<1x1x1x32xi32, #tpu.memory_space<smem>>
    %get3A_540 = arith.constant 0 : index
    %get3A_541 = arith.index_cast %get3A_539 : i32 to index
    %get3A_542 = arith.constant 0 : index
    %get3A_543 = arith.constant 0 : index
    %get3A_544 = vector.load %arg5[%get3A_540, %get3A_541, %get3A_542, %get3A_543] : memref<1x784x12x64xf32, #tpu.memory_space<vmem>>, vector<1x1x12x64xf32>
    %get3A_545 = vector.shape_cast %get3A_544 : vector<1x1x12x64xf32> to vector<12x64xf32>
    %get3A_546 = arith.constant 0 : index
    %get3A_547 = arith.constant 0 : index
    %get3A_548 = arith.constant 0 : index
    %get3A_549 = arith.constant 18 : index
    %get3A_550 = memref.load %arg2[%get3A_546, %get3A_547, %get3A_548, %get3A_549] : memref<1x1x1x32xi32, #tpu.memory_space<smem>>
    %get3A_551 = arith.constant 0 : index
    %get3A_552 = arith.index_cast %get3A_550 : i32 to index
    %get3A_553 = arith.constant 0 : index
    %get3A_554 = arith.constant 0 : index
    %get3A_555 = vector.load %arg5[%get3A_551, %get3A_552, %get3A_553, %get3A_554] : memref<1x784x12x64xf32, #tpu.memory_space<vmem>>, vector<1x1x12x64xf32>
    %get3A_556 = vector.shape_cast %get3A_555 : vector<1x1x12x64xf32> to vector<12x64xf32>
    %get3A_557 = arith.constant 0 : index
    %get3A_558 = arith.constant 0 : index
    %get3A_559 = arith.constant 0 : index
    %get3A_560 = arith.constant 19 : index
    %get3A_561 = memref.load %arg2[%get3A_557, %get3A_558, %get3A_559, %get3A_560] : memref<1x1x1x32xi32, #tpu.memory_space<smem>>
    %get3A_562 = arith.constant 0 : index
    %get3A_563 = arith.index_cast %get3A_561 : i32 to index
    %get3A_564 = arith.constant 0 : index
    %get3A_565 = arith.constant 0 : index
    %get3A_566 = vector.load %arg5[%get3A_562, %get3A_563, %get3A_564, %get3A_565] : memref<1x784x12x64xf32, #tpu.memory_space<vmem>>, vector<1x1x12x64xf32>
    %get3A_567 = vector.shape_cast %get3A_566 : vector<1x1x12x64xf32> to vector<12x64xf32>
    %concatenate3A_568 = tpu.concatenate %get3A_534, %get3A_545, %get3A_556, %get3A_567 in 1 : vector<12x64xf32>, vector<12x64xf32>, vector<12x64xf32>, vector<12x64xf32> -> vector<12x256xf32>
    %dot_general3A_569 = arith.constant dense<0.000000e+00> : vector<64x256xf32>
    %dot_general3A_570 = tpu.matmul %get3A_478, %concatenate3A_523, %dot_general3A_569 {dimension_numbers = #tpu.dot_dimension_numbers<[0], [0], [1], [1], [0, 1, 1, 1], [], []>, transpose_lhs_hint = false} : vector<12x64xf32>, vector<12x256xf32>, vector<64x256xf32> -> vector<64x256xf32>
    %mul3A_571 = arith.constant 0.288675129 : f32
    %mul3A_572 = vector.broadcast %mul3A_571 : f32 to vector<64x256xf32>
    %mul3A_573 = arith.mulf %dot_general3A_570, %mul3A_572 : vector<64x256xf32>
    %reduce_max3A_574 = arith.constant dense<0xFF800000> : vector<64xf32>
    %reduce_max3A_575 = vector.multi_reduction <maximumf>, %mul3A_573, %reduce_max3A_574 [1] : vector<64x256xf32> to vector<64xf32>
    %broadcast_in_dim3A_576 = vector.shape_cast %reduce_max3A_575 : vector<64xf32> to vector<64x1xf32>
    %sub3A_577 = vector.broadcast %broadcast_in_dim3A_576 : vector<64x1xf32> to vector<64x256xf32>
    %sub3A_578 = arith.subf %mul3A_573, %sub3A_577 : vector<64x256xf32>
    %exp3A_579 = math.exp %sub3A_578 : vector<64x256xf32>
    %reduce_sum3A_580 = arith.constant dense<0.000000e+00> : vector<64xf32>
    %reduce_sum3A_581 = vector.multi_reduction <add>, %exp3A_579, %reduce_sum3A_580 [1] : vector<64x256xf32> to vector<64xf32>
    %broadcast_in_dim3A_582 = vector.shape_cast %reduce_sum3A_581 : vector<64xf32> to vector<64x1xf32>
    %div3A_583 = vector.broadcast %broadcast_in_dim3A_582 : vector<64x1xf32> to vector<64x256xf32>
    %div3A_584 = arith.divf %exp3A_579, %div3A_583 : vector<64x256xf32>
    %dot_general3A_585 = arith.constant dense<0.000000e+00> : vector<12x64xf32>
    %dot_general3A_586 = tpu.matmul %concatenate3A_568, %div3A_584, %dot_general3A_585 {dimension_numbers = #tpu.dot_dimension_numbers<[1], [1], [0], [0], [0, 0, 1, 0], [], []>, transpose_lhs_hint = false} : vector<12x256xf32>, vector<64x256xf32>, vector<12x64xf32> -> vector<12x64xf32>
    %swap3A_587 = arith.constant 0 : index
    %swap3A_588 = arith.constant 4 : index
    %swap3A_589 = arith.constant 0 : index
    %swap3A_590 = arith.constant 0 : index
    %swap3A_591 = vector.load %arg6[%swap3A_587, %swap3A_588, %swap3A_589, %swap3A_590] : memref<1x8x12x64xf32, #tpu.memory_space<vmem>>, vector<1x1x12x64xf32>
    %swap3A_592 = vector.shape_cast %swap3A_591 : vector<1x1x12x64xf32> to vector<12x64xf32>
    %swap3A_593 = vector.shape_cast %dot_general3A_586 : vector<12x64xf32> to vector<1x1x12x64xf32>
    tpu.vector_store %arg6[%swap3A_587, %swap3A_588, %swap3A_589, %swap3A_590], %swap3A_593 {strides = array<i32>} : memref<1x8x12x64xf32, #tpu.memory_space<vmem>>, vector<1x1x12x64xf32>,
    %get3A_594 = arith.constant 0 : index
    %get3A_595 = arith.constant 5 : index
    %get3A_596 = arith.constant 0 : index
    %get3A_597 = arith.constant 0 : index
    %get3A_598 = vector.load %arg3[%get3A_594, %get3A_595, %get3A_596, %get3A_597] : memref<1x8x12x64xf32, #tpu.memory_space<vmem>>, vector<1x1x12x64xf32>
    %get3A_599 = vector.shape_cast %get3A_598 : vector<1x1x12x64xf32> to vector<12x64xf32>
    %get3A_600 = arith.constant 0 : index
    %get3A_601 = arith.constant 0 : index
    %get3A_602 = arith.constant 0 : index
    %get3A_603 = arith.constant 20 : index
    %get3A_604 = memref.load %arg2[%get3A_600, %get3A_601, %get3A_602, %get3A_603] : memref<1x1x1x32xi32, #tpu.memory_space<smem>>
    %get3A_605 = arith.constant 0 : index
    %get3A_606 = arith.index_cast %get3A_604 : i32 to index
    %get3A_607 = arith.constant 0 : index
    %get3A_608 = arith.constant 0 : index
    %get3A_609 = vector.load %arg4[%get3A_605, %get3A_606, %get3A_607, %get3A_608] : memref<1x784x12x64xf32, #tpu.memory_space<vmem>>, vector<1x1x12x64xf32>
    %get3A_610 = vector.shape_cast %get3A_609 : vector<1x1x12x64xf32> to vector<12x64xf32>
    %get3A_611 = arith.constant 0 : index
    %get3A_612 = arith.constant 0 : index
    %get3A_613 = arith.constant 0 : index
    %get3A_614 = arith.constant 21 : index
    %get3A_615 = memref.load %arg2[%get3A_611, %get3A_612, %get3A_613, %get3A_614] : memref<1x1x1x32xi32, #tpu.memory_space<smem>>
    %get3A_616 = arith.constant 0 : index
    %get3A_617 = arith.index_cast %get3A_615 : i32 to index
    %get3A_618 = arith.constant 0 : index
    %get3A_619 = arith.constant 0 : index
    %get3A_620 = vector.load %arg4[%get3A_616, %get3A_617, %get3A_618, %get3A_619] : memref<1x784x12x64xf32, #tpu.memory_space<vmem>>, vector<1x1x12x64xf32>
    %get3A_621 = vector.shape_cast %get3A_620 : vector<1x1x12x64xf32> to vector<12x64xf32>
    %get3A_622 = arith.constant 0 : index
    %get3A_623 = arith.constant 0 : index
    %get3A_624 = arith.constant 0 : index
    %get3A_625 = arith.constant 22 : index
    %get3A_626 = memref.load %arg2[%get3A_622, %get3A_623, %get3A_624, %get3A_625] : memref<1x1x1x32xi32, #tpu.memory_space<smem>>
    %get3A_627 = arith.constant 0 : index
    %get3A_628 = arith.index_cast %get3A_626 : i32 to index
    %get3A_629 = arith.constant 0 : index
    %get3A_630 = arith.constant 0 : index
    %get3A_631 = vector.load %arg4[%get3A_627, %get3A_628, %get3A_629, %get3A_630] : memref<1x784x12x64xf32, #tpu.memory_space<vmem>>, vector<1x1x12x64xf32>
    %get3A_632 = vector.shape_cast %get3A_631 : vector<1x1x12x64xf32> to vector<12x64xf32>
    %get3A_633 = arith.constant 0 : index
    %get3A_634 = arith.constant 0 : index
    %get3A_635 = arith.constant 0 : index
    %get3A_636 = arith.constant 23 : index
    %get3A_637 = memref.load %arg2[%get3A_633, %get3A_634, %get3A_635, %get3A_636] : memref<1x1x1x32xi32, #tpu.memory_space<smem>>
    %get3A_638 = arith.constant 0 : index
    %get3A_639 = arith.index_cast %get3A_637 : i32 to index
    %get3A_640 = arith.constant 0 : index
    %get3A_641 = arith.constant 0 : index
    %get3A_642 = vector.load %arg4[%get3A_638, %get3A_639, %get3A_640, %get3A_641] : memref<1x784x12x64xf32, #tpu.memory_space<vmem>>, vector<1x1x12x64xf32>
    %get3A_643 = vector.shape_cast %get3A_642 : vector<1x1x12x64xf32> to vector<12x64xf32>
    %concatenate3A_644 = tpu.concatenate %get3A_610, %get3A_621, %get3A_632, %get3A_643 in 1 : vector<12x64xf32>, vector<12x64xf32>, vector<12x64xf32>, vector<12x64xf32> -> vector<12x256xf32>
    %get3A_645 = arith.constant 0 : index
    %get3A_646 = arith.constant 0 : index
    %get3A_647 = arith.constant 0 : index
    %get3A_648 = arith.constant 20 : index
    %get3A_649 = memref.load %arg2[%get3A_645, %get3A_646, %get3A_647, %get3A_648] : memref<1x1x1x32xi32, #tpu.memory_space<smem>>
    %get3A_650 = arith.constant 0 : index
    %get3A_651 = arith.index_cast %get3A_649 : i32 to index
    %get3A_652 = arith.constant 0 : index
    %get3A_653 = arith.constant 0 : index
    %get3A_654 = vector.load %arg5[%get3A_650, %get3A_651, %get3A_652, %get3A_653] : memref<1x784x12x64xf32, #tpu.memory_space<vmem>>, vector<1x1x12x64xf32>
    %get3A_655 = vector.shape_cast %get3A_654 : vector<1x1x12x64xf32> to vector<12x64xf32>
    %get3A_656 = arith.constant 0 : index
    %get3A_657 = arith.constant 0 : index
    %get3A_658 = arith.constant 0 : index
    %get3A_659 = arith.constant 21 : index
    %get3A_660 = memref.load %arg2[%get3A_656, %get3A_657, %get3A_658, %get3A_659] : memref<1x1x1x32xi32, #tpu.memory_space<smem>>
    %get3A_661 = arith.constant 0 : index
    %get3A_662 = arith.index_cast %get3A_660 : i32 to index
    %get3A_663 = arith.constant 0 : index
    %get3A_664 = arith.constant 0 : index
    %get3A_665 = vector.load %arg5[%get3A_661, %get3A_662, %get3A_663, %get3A_664] : memref<1x784x12x64xf32, #tpu.memory_space<vmem>>, vector<1x1x12x64xf32>
    %get3A_666 = vector.shape_cast %get3A_665 : vector<1x1x12x64xf32> to vector<12x64xf32>
    %get3A_667 = arith.constant 0 : index
    %get3A_668 = arith.constant 0 : index
    %get3A_669 = arith.constant 0 : index
    %get3A_670 = arith.constant 22 : index
    %get3A_671 = memref.load %arg2[%get3A_667, %get3A_668, %get3A_669, %get3A_670] : memref<1x1x1x32xi32, #tpu.memory_space<smem>>
    %get3A_672 = arith.constant 0 : index
    %get3A_673 = arith.index_cast %get3A_671 : i32 to index
    %get3A_674 = arith.constant 0 : index
    %get3A_675 = arith.constant 0 : index
    %get3A_676 = vector.load %arg5[%get3A_672, %get3A_673, %get3A_674, %get3A_675] : memref<1x784x12x64xf32, #tpu.memory_space<vmem>>, vector<1x1x12x64xf32>
    %get3A_677 = vector.shape_cast %get3A_676 : vector<1x1x12x64xf32> to vector<12x64xf32>
    %get3A_678 = arith.constant 0 : index
    %get3A_679 = arith.constant 0 : index
    %get3A_680 = arith.constant 0 : index
    %get3A_681 = arith.constant 23 : index
    %get3A_682 = memref.load %arg2[%get3A_678, %get3A_679, %get3A_680, %get3A_681] : memref<1x1x1x32xi32, #tpu.memory_space<smem>>
    %get3A_683 = arith.constant 0 : index
    %get3A_684 = arith.index_cast %get3A_682 : i32 to index
    %get3A_685 = arith.constant 0 : index
    %get3A_686 = arith.constant 0 : index
    %get3A_687 = vector.load %arg5[%get3A_683, %get3A_684, %get3A_685, %get3A_686] : memref<1x784x12x64xf32, #tpu.memory_space<vmem>>, vector<1x1x12x64xf32>
    %get3A_688 = vector.shape_cast %get3A_687 : vector<1x1x12x64xf32> to vector<12x64xf32>
    %concatenate3A_689 = tpu.concatenate %get3A_655, %get3A_666, %get3A_677, %get3A_688 in 1 : vector<12x64xf32>, vector<12x64xf32>, vector<12x64xf32>, vector<12x64xf32> -> vector<12x256xf32>
    %dot_general3A_690 = arith.constant dense<0.000000e+00> : vector<64x256xf32>
    %dot_general3A_691 = tpu.matmul %get3A_599, %concatenate3A_644, %dot_general3A_690 {dimension_numbers = #tpu.dot_dimension_numbers<[0], [0], [1], [1], [0, 1, 1, 1], [], []>, transpose_lhs_hint = false} : vector<12x64xf32>, vector<12x256xf32>, vector<64x256xf32> -> vector<64x256xf32>
    %mul3A_692 = arith.constant 0.288675129 : f32
    %mul3A_693 = vector.broadcast %mul3A_692 : f32 to vector<64x256xf32>
    %mul3A_694 = arith.mulf %dot_general3A_691, %mul3A_693 : vector<64x256xf32>
    %reduce_max3A_695 = arith.constant dense<0xFF800000> : vector<64xf32>
    %reduce_max3A_696 = vector.multi_reduction <maximumf>, %mul3A_694, %reduce_max3A_695 [1] : vector<64x256xf32> to vector<64xf32>
    %broadcast_in_dim3A_697 = vector.shape_cast %reduce_max3A_696 : vector<64xf32> to vector<64x1xf32>
    %sub3A_698 = vector.broadcast %broadcast_in_dim3A_697 : vector<64x1xf32> to vector<64x256xf32>
    %sub3A_699 = arith.subf %mul3A_694, %sub3A_698 : vector<64x256xf32>
    %exp3A_700 = math.exp %sub3A_699 : vector<64x256xf32>
    %reduce_sum3A_701 = arith.constant dense<0.000000e+00> : vector<64xf32>
    %reduce_sum3A_702 = vector.multi_reduction <add>, %exp3A_700, %reduce_sum3A_701 [1] : vector<64x256xf32> to vector<64xf32>
    %broadcast_in_dim3A_703 = vector.shape_cast %reduce_sum3A_702 : vector<64xf32> to vector<64x1xf32>
    %div3A_704 = vector.broadcast %broadcast_in_dim3A_703 : vector<64x1xf32> to vector<64x256xf32>
    %div3A_705 = arith.divf %exp3A_700, %div3A_704 : vector<64x256xf32>
    %dot_general3A_706 = arith.constant dense<0.000000e+00> : vector<12x64xf32>
    %dot_general3A_707 = tpu.matmul %concatenate3A_689, %div3A_705, %dot_general3A_706 {dimension_numbers = #tpu.dot_dimension_numbers<[1], [1], [0], [0], [0, 0, 1, 0], [], []>, transpose_lhs_hint = false} : vector<12x256xf32>, vector<64x256xf32>, vector<12x64xf32> -> vector<12x64xf32>
    %swap3A_708 = arith.constant 0 : index
    %swap3A_709 = arith.constant 5 : index
    %swap3A_710 = arith.constant 0 : index
    %swap3A_711 = arith.constant 0 : index
    %swap3A_712 = vector.load %arg6[%swap3A_708, %swap3A_709, %swap3A_710, %swap3A_711] : memref<1x8x12x64xf32, #tpu.memory_space<vmem>>, vector<1x1x12x64xf32>
    %swap3A_713 = vector.shape_cast %swap3A_712 : vector<1x1x12x64xf32> to vector<12x64xf32>
    %swap3A_714 = vector.shape_cast %dot_general3A_707 : vector<12x64xf32> to vector<1x1x12x64xf32>
    tpu.vector_store %arg6[%swap3A_708, %swap3A_709, %swap3A_710, %swap3A_711], %swap3A_714 {strides = array<i32>} : memref<1x8x12x64xf32, #tpu.memory_space<vmem>>, vector<1x1x12x64xf32>,
    %get3A_715 = arith.constant 0 : index
    %get3A_716 = arith.constant 6 : index
    %get3A_717 = arith.constant 0 : index
    %get3A_718 = arith.constant 0 : index
    %get3A_719 = vector.load %arg3[%get3A_715, %get3A_716, %get3A_717, %get3A_718] : memref<1x8x12x64xf32, #tpu.memory_space<vmem>>, vector<1x1x12x64xf32>
    %get3A_720 = vector.shape_cast %get3A_719 : vector<1x1x12x64xf32> to vector<12x64xf32>
    %get3A_721 = arith.constant 0 : index
    %get3A_722 = arith.constant 0 : index
    %get3A_723 = arith.constant 0 : index
    %get3A_724 = arith.constant 24 : index
    %get3A_725 = memref.load %arg2[%get3A_721, %get3A_722, %get3A_723, %get3A_724] : memref<1x1x1x32xi32, #tpu.memory_space<smem>>
    %get3A_726 = arith.constant 0 : index
    %get3A_727 = arith.index_cast %get3A_725 : i32 to index
    %get3A_728 = arith.constant 0 : index
    %get3A_729 = arith.constant 0 : index
    %get3A_730 = vector.load %arg4[%get3A_726, %get3A_727, %get3A_728, %get3A_729] : memref<1x784x12x64xf32, #tpu.memory_space<vmem>>, vector<1x1x12x64xf32>
    %get3A_731 = vector.shape_cast %get3A_730 : vector<1x1x12x64xf32> to vector<12x64xf32>
    %get3A_732 = arith.constant 0 : index
    %get3A_733 = arith.constant 0 : index
    %get3A_734 = arith.constant 0 : index
    %get3A_735 = arith.constant 25 : index
    %get3A_736 = memref.load %arg2[%get3A_732, %get3A_733, %get3A_734, %get3A_735] : memref<1x1x1x32xi32, #tpu.memory_space<smem>>
    %get3A_737 = arith.constant 0 : index
    %get3A_738 = arith.index_cast %get3A_736 : i32 to index
    %get3A_739 = arith.constant 0 : index
    %get3A_740 = arith.constant 0 : index
    %get3A_741 = vector.load %arg4[%get3A_737, %get3A_738, %get3A_739, %get3A_740] : memref<1x784x12x64xf32, #tpu.memory_space<vmem>>, vector<1x1x12x64xf32>
    %get3A_742 = vector.shape_cast %get3A_741 : vector<1x1x12x64xf32> to vector<12x64xf32>
    %get3A_743 = arith.constant 0 : index
    %get3A_744 = arith.constant 0 : index
    %get3A_745 = arith.constant 0 : index
    %get3A_746 = arith.constant 26 : index
    %get3A_747 = memref.load %arg2[%get3A_743, %get3A_744, %get3A_745, %get3A_746] : memref<1x1x1x32xi32, #tpu.memory_space<smem>>
    %get3A_748 = arith.constant 0 : index
    %get3A_749 = arith.index_cast %get3A_747 : i32 to index
    %get3A_750 = arith.constant 0 : index
    %get3A_751 = arith.constant 0 : index
    %get3A_752 = vector.load %arg4[%get3A_748, %get3A_749, %get3A_750, %get3A_751] : memref<1x784x12x64xf32, #tpu.memory_space<vmem>>, vector<1x1x12x64xf32>
    %get3A_753 = vector.shape_cast %get3A_752 : vector<1x1x12x64xf32> to vector<12x64xf32>
    %get3A_754 = arith.constant 0 : index
    %get3A_755 = arith.constant 0 : index
    %get3A_756 = arith.constant 0 : index
    %get3A_757 = arith.constant 27 : index
    %get3A_758 = memref.load %arg2[%get3A_754, %get3A_755, %get3A_756, %get3A_757] : memref<1x1x1x32xi32, #tpu.memory_space<smem>>
    %get3A_759 = arith.constant 0 : index
    %get3A_760 = arith.index_cast %get3A_758 : i32 to index
    %get3A_761 = arith.constant 0 : index
    %get3A_762 = arith.constant 0 : index
    %get3A_763 = vector.load %arg4[%get3A_759, %get3A_760, %get3A_761, %get3A_762] : memref<1x784x12x64xf32, #tpu.memory_space<vmem>>, vector<1x1x12x64xf32>
    %get3A_764 = vector.shape_cast %get3A_763 : vector<1x1x12x64xf32> to vector<12x64xf32>
    %concatenate3A_765 = tpu.concatenate %get3A_731, %get3A_742, %get3A_753, %get3A_764 in 1 : vector<12x64xf32>, vector<12x64xf32>, vector<12x64xf32>, vector<12x64xf32> -> vector<12x256xf32>
    %get3A_766 = arith.constant 0 : index
    %get3A_767 = arith.constant 0 : index
    %get3A_768 = arith.constant 0 : index
    %get3A_769 = arith.constant 24 : index
    %get3A_770 = memref.load %arg2[%get3A_766, %get3A_767, %get3A_768, %get3A_769] : memref<1x1x1x32xi32, #tpu.memory_space<smem>>
    %get3A_771 = arith.constant 0 : index
    %get3A_772 = arith.index_cast %get3A_770 : i32 to index
    %get3A_773 = arith.constant 0 : index
    %get3A_774 = arith.constant 0 : index
    %get3A_775 = vector.load %arg5[%get3A_771, %get3A_772, %get3A_773, %get3A_774] : memref<1x784x12x64xf32, #tpu.memory_space<vmem>>, vector<1x1x12x64xf32>
    %get3A_776 = vector.shape_cast %get3A_775 : vector<1x1x12x64xf32> to vector<12x64xf32>
    %get3A_777 = arith.constant 0 : index
    %get3A_778 = arith.constant 0 : index
    %get3A_779 = arith.constant 0 : index
    %get3A_780 = arith.constant 25 : index
    %get3A_781 = memref.load %arg2[%get3A_777, %get3A_778, %get3A_779, %get3A_780] : memref<1x1x1x32xi32, #tpu.memory_space<smem>>
    %get3A_782 = arith.constant 0 : index
    %get3A_783 = arith.index_cast %get3A_781 : i32 to index
    %get3A_784 = arith.constant 0 : index
    %get3A_785 = arith.constant 0 : index
    %get3A_786 = vector.load %arg5[%get3A_782, %get3A_783, %get3A_784, %get3A_785] : memref<1x784x12x64xf32, #tpu.memory_space<vmem>>, vector<1x1x12x64xf32>
    %get3A_787 = vector.shape_cast %get3A_786 : vector<1x1x12x64xf32> to vector<12x64xf32>
    %get3A_788 = arith.constant 0 : index
    %get3A_789 = arith.constant 0 : index
    %get3A_790 = arith.constant 0 : index
    %get3A_791 = arith.constant 26 : index
    %get3A_792 = memref.load %arg2[%get3A_788, %get3A_789, %get3A_790, %get3A_791] : memref<1x1x1x32xi32, #tpu.memory_space<smem>>
    %get3A_793 = arith.constant 0 : index
    %get3A_794 = arith.index_cast %get3A_792 : i32 to index
    %get3A_795 = arith.constant 0 : index
    %get3A_796 = arith.constant 0 : index
    %get3A_797 = vector.load %arg5[%get3A_793, %get3A_794, %get3A_795, %get3A_796] : memref<1x784x12x64xf32, #tpu.memory_space<vmem>>, vector<1x1x12x64xf32>
    %get3A_798 = vector.shape_cast %get3A_797 : vector<1x1x12x64xf32> to vector<12x64xf32>
    %get3A_799 = arith.constant 0 : index
    %get3A_800 = arith.constant 0 : index
    %get3A_801 = arith.constant 0 : index
    %get3A_802 = arith.constant 27 : index
    %get3A_803 = memref.load %arg2[%get3A_799, %get3A_800, %get3A_801, %get3A_802] : memref<1x1x1x32xi32, #tpu.memory_space<smem>>
    %get3A_804 = arith.constant 0 : index
    %get3A_805 = arith.index_cast %get3A_803 : i32 to index
    %get3A_806 = arith.constant 0 : index
    %get3A_807 = arith.constant 0 : index
    %get3A_808 = vector.load %arg5[%get3A_804, %get3A_805, %get3A_806, %get3A_807] : memref<1x784x12x64xf32, #tpu.memory_space<vmem>>, vector<1x1x12x64xf32>
    %get3A_809 = vector.shape_cast %get3A_808 : vector<1x1x12x64xf32> to vector<12x64xf32>
    %concatenate3A_810 = tpu.concatenate %get3A_776, %get3A_787, %get3A_798, %get3A_809 in 1 : vector<12x64xf32>, vector<12x64xf32>, vector<12x64xf32>, vector<12x64xf32> -> vector<12x256xf32>
    %dot_general3A_811 = arith.constant dense<0.000000e+00> : vector<64x256xf32>
    %dot_general3A_812 = tpu.matmul %get3A_720, %concatenate3A_765, %dot_general3A_811 {dimension_numbers = #tpu.dot_dimension_numbers<[0], [0], [1], [1], [0, 1, 1, 1], [], []>, transpose_lhs_hint = false} : vector<12x64xf32>, vector<12x256xf32>, vector<64x256xf32> -> vector<64x256xf32>
    %mul3A_813 = arith.constant 0.288675129 : f32
    %mul3A_814 = vector.broadcast %mul3A_813 : f32 to vector<64x256xf32>
    %mul3A_815 = arith.mulf %dot_general3A_812, %mul3A_814 : vector<64x256xf32>
    %reduce_max3A_816 = arith.constant dense<0xFF800000> : vector<64xf32>
    %reduce_max3A_817 = vector.multi_reduction <maximumf>, %mul3A_815, %reduce_max3A_816 [1] : vector<64x256xf32> to vector<64xf32>
    %broadcast_in_dim3A_818 = vector.shape_cast %reduce_max3A_817 : vector<64xf32> to vector<64x1xf32>
    %sub3A_819 = vector.broadcast %broadcast_in_dim3A_818 : vector<64x1xf32> to vector<64x256xf32>
    %sub3A_820 = arith.subf %mul3A_815, %sub3A_819 : vector<64x256xf32>
    %exp3A_821 = math.exp %sub3A_820 : vector<64x256xf32>
    %reduce_sum3A_822 = arith.constant dense<0.000000e+00> : vector<64xf32>
    %reduce_sum3A_823 = vector.multi_reduction <add>, %exp3A_821, %reduce_sum3A_822 [1] : vector<64x256xf32> to vector<64xf32>
    %broadcast_in_dim3A_824 = vector.shape_cast %reduce_sum3A_823 : vector<64xf32> to vector<64x1xf32>
    %div3A_825 = vector.broadcast %broadcast_in_dim3A_824 : vector<64x1xf32> to vector<64x256xf32>
    %div3A_826 = arith.divf %exp3A_821, %div3A_825 : vector<64x256xf32>
    %dot_general3A_827 = arith.constant dense<0.000000e+00> : vector<12x64xf32>
    %dot_general3A_828 = tpu.matmul %concatenate3A_810, %div3A_826, %dot_general3A_827 {dimension_numbers = #tpu.dot_dimension_numbers<[1], [1], [0], [0], [0, 0, 1, 0], [], []>, transpose_lhs_hint = false} : vector<12x256xf32>, vector<64x256xf32>, vector<12x64xf32> -> vector<12x64xf32>
    %swap3A_829 = arith.constant 0 : index
    %swap3A_830 = arith.constant 6 : index
    %swap3A_831 = arith.constant 0 : index
    %swap3A_832 = arith.constant 0 : index
    %swap3A_833 = vector.load %arg6[%swap3A_829, %swap3A_830, %swap3A_831, %swap3A_832] : memref<1x8x12x64xf32, #tpu.memory_space<vmem>>, vector<1x1x12x64xf32>
    %swap3A_834 = vector.shape_cast %swap3A_833 : vector<1x1x12x64xf32> to vector<12x64xf32>
    %swap3A_835 = vector.shape_cast %dot_general3A_828 : vector<12x64xf32> to vector<1x1x12x64xf32>
    tpu.vector_store %arg6[%swap3A_829, %swap3A_830, %swap3A_831, %swap3A_832], %swap3A_835 {strides = array<i32>} : memref<1x8x12x64xf32, #tpu.memory_space<vmem>>, vector<1x1x12x64xf32>,
    %get3A_836 = arith.constant 0 : index
    %get3A_837 = arith.constant 7 : index
    %get3A_838 = arith.constant 0 : index
    %get3A_839 = arith.constant 0 : index
    %get3A_840 = vector.load %arg3[%get3A_836, %get3A_837, %get3A_838, %get3A_839] : memref<1x8x12x64xf32, #tpu.memory_space<vmem>>, vector<1x1x12x64xf32>
    %get3A_841 = vector.shape_cast %get3A_840 : vector<1x1x12x64xf32> to vector<12x64xf32>
    %get3A_842 = arith.constant 0 : index
    %get3A_843 = arith.constant 0 : index
    %get3A_844 = arith.constant 0 : index
    %get3A_845 = arith.constant 28 : index
    %get3A_846 = memref.load %arg2[%get3A_842, %get3A_843, %get3A_844, %get3A_845] : memref<1x1x1x32xi32, #tpu.memory_space<smem>>
    %get3A_847 = arith.constant 0 : index
    %get3A_848 = arith.index_cast %get3A_846 : i32 to index
    %get3A_849 = arith.constant 0 : index
    %get3A_850 = arith.constant 0 : index
    %get3A_851 = vector.load %arg4[%get3A_847, %get3A_848, %get3A_849, %get3A_850] : memref<1x784x12x64xf32, #tpu.memory_space<vmem>>, vector<1x1x12x64xf32>
    %get3A_852 = vector.shape_cast %get3A_851 : vector<1x1x12x64xf32> to vector<12x64xf32>
    %get3A_853 = arith.constant 0 : index
    %get3A_854 = arith.constant 0 : index
    %get3A_855 = arith.constant 0 : index
    %get3A_856 = arith.constant 29 : index
    %get3A_857 = memref.load %arg2[%get3A_853, %get3A_854, %get3A_855, %get3A_856] : memref<1x1x1x32xi32, #tpu.memory_space<smem>>
    %get3A_858 = arith.constant 0 : index
    %get3A_859 = arith.index_cast %get3A_857 : i32 to index
    %get3A_860 = arith.constant 0 : index
    %get3A_861 = arith.constant 0 : index
    %get3A_862 = vector.load %arg4[%get3A_858, %get3A_859, %get3A_860, %get3A_861] : memref<1x784x12x64xf32, #tpu.memory_space<vmem>>, vector<1x1x12x64xf32>
    %get3A_863 = vector.shape_cast %get3A_862 : vector<1x1x12x64xf32> to vector<12x64xf32>
    %get3A_864 = arith.constant 0 : index
    %get3A_865 = arith.constant 0 : index
    %get3A_866 = arith.constant 0 : index
    %get3A_867 = arith.constant 30 : index
    %get3A_868 = memref.load %arg2[%get3A_864, %get3A_865, %get3A_866, %get3A_867] : memref<1x1x1x32xi32, #tpu.memory_space<smem>>
    %get3A_869 = arith.constant 0 : index
    %get3A_870 = arith.index_cast %get3A_868 : i32 to index
    %get3A_871 = arith.constant 0 : index
    %get3A_872 = arith.constant 0 : index
    %get3A_873 = vector.load %arg4[%get3A_869, %get3A_870, %get3A_871, %get3A_872] : memref<1x784x12x64xf32, #tpu.memory_space<vmem>>, vector<1x1x12x64xf32>
    %get3A_874 = vector.shape_cast %get3A_873 : vector<1x1x12x64xf32> to vector<12x64xf32>
    %get3A_875 = arith.constant 0 : index
    %get3A_876 = arith.constant 0 : index
    %get3A_877 = arith.constant 0 : index
    %get3A_878 = arith.constant 31 : index
    %get3A_879 = memref.load %arg2[%get3A_875, %get3A_876, %get3A_877, %get3A_878] : memref<1x1x1x32xi32, #tpu.memory_space<smem>>
    %get3A_880 = arith.constant 0 : index
    %get3A_881 = arith.index_cast %get3A_879 : i32 to index
    %get3A_882 = arith.constant 0 : index
    %get3A_883 = arith.constant 0 : index
    %get3A_884 = vector.load %arg4[%get3A_880, %get3A_881, %get3A_882, %get3A_883] : memref<1x784x12x64xf32, #tpu.memory_space<vmem>>, vector<1x1x12x64xf32>
    %get3A_885 = vector.shape_cast %get3A_884 : vector<1x1x12x64xf32> to vector<12x64xf32>
    %concatenate3A_886 = tpu.concatenate %get3A_852, %get3A_863, %get3A_874, %get3A_885 in 1 : vector<12x64xf32>, vector<12x64xf32>, vector<12x64xf32>, vector<12x64xf32> -> vector<12x256xf32>
    %get3A_887 = arith.constant 0 : index
    %get3A_888 = arith.constant 0 : index
    %get3A_889 = arith.constant 0 : index
    %get3A_890 = arith.constant 28 : index
    %get3A_891 = memref.load %arg2[%get3A_887, %get3A_888, %get3A_889, %get3A_890] : memref<1x1x1x32xi32, #tpu.memory_space<smem>>
    %get3A_892 = arith.constant 0 : index
    %get3A_893 = arith.index_cast %get3A_891 : i32 to index
    %get3A_894 = arith.constant 0 : index
    %get3A_895 = arith.constant 0 : index
    %get3A_896 = vector.load %arg5[%get3A_892, %get3A_893, %get3A_894, %get3A_895] : memref<1x784x12x64xf32, #tpu.memory_space<vmem>>, vector<1x1x12x64xf32>
    %get3A_897 = vector.shape_cast %get3A_896 : vector<1x1x12x64xf32> to vector<12x64xf32>
    %get3A_898 = arith.constant 0 : index
    %get3A_899 = arith.constant 0 : index
    %get3A_900 = arith.constant 0 : index
    %get3A_901 = arith.constant 29 : index
    %get3A_902 = memref.load %arg2[%get3A_898, %get3A_899, %get3A_900, %get3A_901] : memref<1x1x1x32xi32, #tpu.memory_space<smem>>
    %get3A_903 = arith.constant 0 : index
    %get3A_904 = arith.index_cast %get3A_902 : i32 to index
    %get3A_905 = arith.constant 0 : index
    %get3A_906 = arith.constant 0 : index
    %get3A_907 = vector.load %arg5[%get3A_903, %get3A_904, %get3A_905, %get3A_906] : memref<1x784x12x64xf32, #tpu.memory_space<vmem>>, vector<1x1x12x64xf32>
    %get3A_908 = vector.shape_cast %get3A_907 : vector<1x1x12x64xf32> to vector<12x64xf32>
    %get3A_909 = arith.constant 0 : index
    %get3A_910 = arith.constant 0 : index
    %get3A_911 = arith.constant 0 : index
    %get3A_912 = arith.constant 30 : index
    %get3A_913 = memref.load %arg2[%get3A_909, %get3A_910, %get3A_911, %get3A_912] : memref<1x1x1x32xi32, #tpu.memory_space<smem>>
    %get3A_914 = arith.constant 0 : index
    %get3A_915 = arith.index_cast %get3A_913 : i32 to index
    %get3A_916 = arith.constant 0 : index
    %get3A_917 = arith.constant 0 : index
    %get3A_918 = vector.load %arg5[%get3A_914, %get3A_915, %get3A_916, %get3A_917] : memref<1x784x12x64xf32, #tpu.memory_space<vmem>>, vector<1x1x12x64xf32>
    %get3A_919 = vector.shape_cast %get3A_918 : vector<1x1x12x64xf32> to vector<12x64xf32>
    %get3A_920 = arith.constant 0 : index
    %get3A_921 = arith.constant 0 : index
    %get3A_922 = arith.constant 0 : index
    %get3A_923 = arith.constant 31 : index
    %get3A_924 = memref.load %arg2[%get3A_920, %get3A_921, %get3A_922, %get3A_923] : memref<1x1x1x32xi32, #tpu.memory_space<smem>>
    %get3A_925 = arith.constant 0 : index
    %get3A_926 = arith.index_cast %get3A_924 : i32 to index
    %get3A_927 = arith.constant 0 : index
    %get3A_928 = arith.constant 0 : index
    %get3A_929 = vector.load %arg5[%get3A_925, %get3A_926, %get3A_927, %get3A_928] : memref<1x784x12x64xf32, #tpu.memory_space<vmem>>, vector<1x1x12x64xf32>
    %get3A_930 = vector.shape_cast %get3A_929 : vector<1x1x12x64xf32> to vector<12x64xf32>
    %concatenate3A_931 = tpu.concatenate %get3A_897, %get3A_908, %get3A_919, %get3A_930 in 1 : vector<12x64xf32>, vector<12x64xf32>, vector<12x64xf32>, vector<12x64xf32> -> vector<12x256xf32>
    %dot_general3A_932 = arith.constant dense<0.000000e+00> : vector<64x256xf32>
    %dot_general3A_933 = tpu.matmul %get3A_841, %concatenate3A_886, %dot_general3A_932 {dimension_numbers = #tpu.dot_dimension_numbers<[0], [0], [1], [1], [0, 1, 1, 1], [], []>, transpose_lhs_hint = false} : vector<12x64xf32>, vector<12x256xf32>, vector<64x256xf32> -> vector<64x256xf32>
    %mul3A_934 = arith.constant 0.288675129 : f32
    %mul3A_935 = vector.broadcast %mul3A_934 : f32 to vector<64x256xf32>
    %mul3A_936 = arith.mulf %dot_general3A_933, %mul3A_935 : vector<64x256xf32>
    %reduce_max3A_937 = arith.constant dense<0xFF800000> : vector<64xf32>
    %reduce_max3A_938 = vector.multi_reduction <maximumf>, %mul3A_936, %reduce_max3A_937 [1] : vector<64x256xf32> to vector<64xf32>
    %broadcast_in_dim3A_939 = vector.shape_cast %reduce_max3A_938 : vector<64xf32> to vector<64x1xf32>
    %sub3A_940 = vector.broadcast %broadcast_in_dim3A_939 : vector<64x1xf32> to vector<64x256xf32>
    %sub3A_941 = arith.subf %mul3A_936, %sub3A_940 : vector<64x256xf32>
    %exp3A_942 = math.exp %sub3A_941 : vector<64x256xf32>
    %reduce_sum3A_943 = arith.constant dense<0.000000e+00> : vector<64xf32>
    %reduce_sum3A_944 = vector.multi_reduction <add>, %exp3A_942, %reduce_sum3A_943 [1] : vector<64x256xf32> to vector<64xf32>
    %broadcast_in_dim3A_945 = vector.shape_cast %reduce_sum3A_944 : vector<64xf32> to vector<64x1xf32>
    %div3A_946 = vector.broadcast %broadcast_in_dim3A_945 : vector<64x1xf32> to vector<64x256xf32>
    %div3A_947 = arith.divf %exp3A_942, %div3A_946 : vector<64x256xf32>
    %dot_general3A_948 = arith.constant dense<0.000000e+00> : vector<12x64xf32>
    %dot_general3A_949 = tpu.matmul %concatenate3A_931, %div3A_947, %dot_general3A_948 {dimension_numbers = #tpu.dot_dimension_numbers<[1], [1], [0], [0], [0, 0, 1, 0], [], []>, transpose_lhs_hint = false} : vector<12x256xf32>, vector<64x256xf32>, vector<12x64xf32> -> vector<12x64xf32>
    %swap3A_950 = arith.constant 0 : index
    %swap3A_951 = arith.constant 7 : index
    %swap3A_952 = arith.constant 0 : index
    %swap3A_953 = arith.constant 0 : index
    %swap3A_954 = vector.load %arg6[%swap3A_950, %swap3A_951, %swap3A_952, %swap3A_953] : memref<1x8x12x64xf32, #tpu.memory_space<vmem>>, vector<1x1x12x64xf32>
    %swap3A_955 = vector.shape_cast %swap3A_954 : vector<1x1x12x64xf32> to vector<12x64xf32>
    %swap3A_956 = vector.shape_cast %dot_general3A_949 : vector<12x64xf32> to vector<1x1x12x64xf32>
    tpu.vector_store %arg6[%swap3A_950, %swap3A_951, %swap3A_952, %swap3A_953], %swap3A_956 {strides = array<i32>} : memref<1x8x12x64xf32, #tpu.memory_space<vmem>>, vector<1x1x12x64xf32>,
    return
  }
  func.func @transform_0(%arg0: i32, %arg1: i32) -> (i32, i32, i32, i32) {
    %c0_i32 = arith.constant 0 : i32
    %c0_i32_0 = arith.constant 0 : i32
    %c0_i32_1 = arith.constant 0 : i32
    return %arg0, %arg1, %c0_i32, %c0_i32_0 : i32, i32, i32, i32
  }
  func.func @transform_1(%arg0: i32, %arg1: i32) -> (i32, i32, i32, i32) {
    %c0_i32 = arith.constant 0 : i32
    %c0_i32_0 = arith.constant 0 : i32
    %c0_i32_1 = arith.constant 0 : i32
    return %arg0, %arg1, %c0_i32, %c0_i32_0 : i32, i32, i32, i32
  }
  func.func @transform_2(%arg0: i32, %arg1: i32) -> (i32, i32, i32, i32) {
    %c0_i32 = arith.constant 0 : i32
    %c0_i32_0 = arith.constant 0 : i32
    %c0_i32_1 = arith.constant 0 : i32
    %c0_i32_2 = arith.constant 0 : i32
    return %arg0, %c0_i32, %c0_i32_0, %c0_i32_1 : i32, i32, i32, i32
  }
  func.func @transform_3(%arg0: i32, %arg1: i32) -> (i32, i32, i32, i32) {
    %c0_i32 = arith.constant 0 : i32
    %c0_i32_0 = arith.constant 0 : i32
    %c0_i32_1 = arith.constant 0 : i32
    %c0_i32_2 = arith.constant 0 : i32
    return %arg0, %c0_i32, %c0_i32_0, %c0_i32_1 : i32, i32, i32, i32
  }
  func.func @transform_4(%arg0: i32, %arg1: i32) -> (i32, i32, i32, i32) {
    %c0_i32 = arith.constant 0 : i32
    %c0_i32_0 = arith.constant 0 : i32
    %c0_i32_1 = arith.constant 0 : i32
    return %arg0, %arg1, %c0_i32, %c0_i32_0 : i32, i32, i32, i32
  }
}

module attributes {stable_mosaic.version = 14 : i64} {
  func.func @_qkv_body(%arg0: i32, %arg1: memref<96x3584xf32, #tpu.memory_space<vmem>>, %arg2: memref<96x96xf32, #tpu.memory_space<vmem>>, %arg3: memref<96x1xf32, #tpu.memory_space<vmem>>, %arg4: memref<96x3584xf32, #tpu.memory_space<vmem>>) attributes {dimension_semantics = [#tpu.dimension_semantics<arbitrary>], iteration_bounds = array<i64: 14>, scalar_prefetch = 0 : i64, scratch_operands = 0 : i64, tpu.core_type = #tpu.core_type<tc>, window_params = [{transform_indices = @transform_0, window_bounds = array<i64: 96, 3584>}, {pipeline_mode = #tpu.pipeline_mode<synchronous>, transform_indices = @transform_1, window_bounds = array<i64: 96, 96>}, {pipeline_mode = #tpu.pipeline_mode<synchronous>, transform_indices = @transform_2, window_bounds = array<i64: 96, 1>}, {transform_indices = @transform_3, window_bounds = array<i64: 96, 3584>}]} {
    %get3A = arith.constant 0 : index
    %get3A_0 = arith.constant 0 : index
    %get3A_1 = vector.load %arg2[%get3A, %get3A_0] : memref<96x96xf32, #tpu.memory_space<vmem>>, vector<96x96xf32>
    %get3A_2 = arith.constant 0 : index
    %get3A_3 = arith.constant 0 : index
    %get3A_4 = vector.load %arg1[%get3A_2, %get3A_3] : memref<96x3584xf32, #tpu.memory_space<vmem>>, vector<96x3584xf32>
    %dot_general3A = arith.constant dense<0.000000e+00> : vector<96x3584xf32>
    %dot_general3A_5 = tpu.matmul %get3A_1, %get3A_4, %dot_general3A {dimension_numbers = #tpu.dot_dimension_numbers<[1], [0], [0], [1], [0, 0, 1, 1], [], []>, transpose_lhs_hint = false} : vector<96x96xf32>, vector<96x3584xf32>, vector<96x3584xf32> -> vector<96x3584xf32>
    %get3A_6 = arith.constant 0 : index
    %get3A_7 = arith.constant 0 : index
    %get3A_8 = vector.load %arg3[%get3A_6, %get3A_7] : memref<96x1xf32, #tpu.memory_space<vmem>>, vector<96x1xf32>
    %add3A = vector.broadcast %get3A_8 : vector<96x1xf32> to vector<96x3584xf32>
    %add3A_9 = arith.addf %dot_general3A_5, %add3A : vector<96x3584xf32>
    %swap3A = arith.constant 0 : index
    %swap3A_10 = arith.constant 0 : index
    %swap3A_11 = vector.load %arg4[%swap3A, %swap3A_10] : memref<96x3584xf32, #tpu.memory_space<vmem>>, vector<96x3584xf32>
    tpu.vector_store %arg4[%swap3A, %swap3A_10], %add3A_9 {strides = array<i32>} : memref<96x3584xf32, #tpu.memory_space<vmem>>, vector<96x3584xf32>,
    return
  }
  func.func @transform_0(%arg0: i32) -> (i32, i32) {
    %c0_i32 = arith.constant 0 : i32
    %c0_i32_0 = arith.constant 0 : i32
    return %c0_i32, %arg0 : i32, i32
  }
  func.func @transform_1(%arg0: i32) -> (i32, i32) {
    %c0_i32 = arith.constant 0 : i32
    %c0_i32_0 = arith.constant 0 : i32
    %c0_i32_1 = arith.constant 0 : i32
    return %c0_i32, %c0_i32_0 : i32, i32
  }
  func.func @transform_2(%arg0: i32) -> (i32, i32) {
    %c0_i32 = arith.constant 0 : i32
    %c0_i32_0 = arith.constant 0 : i32
    %c0_i32_1 = arith.constant 0 : i32
    return %c0_i32, %c0_i32_0 : i32, i32
  }
  func.func @transform_3(%arg0: i32) -> (i32, i32) {
    %c0_i32 = arith.constant 0 : i32
    %c0_i32_0 = arith.constant 0 : i32
    return %c0_i32, %arg0 : i32, i32
  }
}

</mosaic_0001>

<sc_bundles>
// kernel: sparse-core-data-format-call.cloned.1.call-start
scs
called_computation_lowered:
.L_overlay_start_0:
0x0: {  	s1 =	sld [smem:$0x3FD9]  }
0x1: {  	s2 =	sld [smem:$0x3FFE];
	_ =	sdelay $0x1  }
0x2: {  	s3 =	srdreg.scid  }
0x3: {  	s0 =	sand.u32 $0x1, s3  }
0x4: {  	s17 =	sshll.u32 s0, $0xA;
	s1 =	sadd.s32 s2, s1  }
0x5: {  	s1 =	sadd.s32 s1, s17  }
0x6: {  	[smem:$0x3FC3] =	sst s1  }
0x7: {  	_ = 	snop  }
0x8: {  	(tm) =	ssettm $0x1  }
0x9: {  	s18 =	sld [smem:$0x3FFB];
	_ =	sdelay $0x3  }
0xa: {  	_ =	strace s18  }
0xb: {  	s1 =	sld [smem:$0x3FFC];
	_ =	sdelay $0x3  }
0xc: {  	_ =	strace s1  }
0xd: {  	s1 =	sld [smem:$0x3FFD];
	_ =	sdelay $0x3  }
0xe: {  	_ =	strace s1  }
0xf: {  	_ =	strace $0x8FFFFFFF  }
0x10: {  	s19 =	sld [smem:$0x3FDB];
	_ =	sdelay $0x1  }
0x11: {  	s20 =	simm.s32 $_scs_section_size  }
0x12: {  	s4 =	simm.s32 $_size__tile_overlayer_lowered;
	s5 =	simm.s32 $_tile_overlayer_lowered  }
0x13: {  	s23 =	simm.s32 $0x1BFF;
	s22 =	sshll.u32 s5, $0x1;
	s1 =	sadd.s32 s20, s19  }
0x14: {  	s6 =	simm.s32 $0x0;
	s21 =	sshll.u32 s4, $0x1;
	s4 =	sadd.s32 s22, s1  }
0x15: {  	[timem:s6], [sflag:s23] =	dma.local [hbm:s4], s21  }
0x16: {  	_ =	swait.ge [sflag:s23], s21  }
0x17: {  	s2 =	ssub.s32 $0x0, s21;
	[sflag:s23] =	ssyncset.done $0x0  }
0x18: {  	[sflag:s23] =	ssyncadd.s32 s2;
	_ =	sdelay $0x1  }
0x19: {  	s24 =	simm.s32 $0x1B8B  }
0x1a: {  	_ =	swait.ge [sflag:s24], $0x1  }
0x1b: {  	[sflag:s24] =	ssyncset.done $0x0  }
0x1c: {  	s26 =	simm.s32 $0x1B8E;
	s25 =	sld [smem:$0x3FFE];
	[sflag:s24] =	ssyncadd.s32 $0xFFFFFFFF  }
0x1d: {  	s27 =	simm.s32 $execute0_lowered;
	[smem:$0x3FD2] =	sst s26  }
0x1e: {  	s4 =	sshll.u32 s27, $0x1;
	_ =	strace $0x80000046;
	[dreg:$0x1] =	wrdreg $0xFFFFFFFF  }
0x1f: {  	s28 =	simm.s32 $_size_execute0_lowered;
	s1 =	sadd.s32 s1, s4;
	[dreg:$0x0] =	wrdreg $0x0  }
0x20: {  	s4 =	sshll.u32 s28, $0x1;
	[dreg:$0x2] =	wrdreg s1  }
0x21: {  	[dreg:$0x3] =	wrdreg s4  }
0x22: {  	[dreg:$0x4] =	wrdreg $0xC0  }
0x23: {  	_ =	task [dreg:s6], $0x5FFFF  }
0x24: {  	[dreg:$0x1] =	wrdreg $0xFFFFFFFF  }
0x25: {  	[dreg:$0x0] =	wrdreg $0x60  }
0x26: {  	[dreg:$0x2] =	wrdreg s25  }
0x27: {  	[dreg:$0x3] =	wrdreg $0x9  }
0x28: {  	_ =	task.clear_ibuf [dreg:s6], $0x4FFFF;
	_ =	strace $0x90000046  }
0x29: {  	s29 =	simm.s32 $0x9;
	_ =	strace $0x80000048  }
0x2a: {  	_ =	swait.ge [sflag:s29], $0x1  }
0x2b: {  	[sflag:s29] =	ssyncadd.s32 $0xFFFFFFFF  }
0x2c: {  	_ =	strace $0x90000048  }
0x2d: {  	_ =	sfence  }
0x2e: {  	s30 =	sld [smem:$0x0];
	_ =	sdelay $0x2  }
0x2f: {  	s31 =	sshll.u32 s3, $0xD;
	s3 =	sshrl.u32 s3, $0x2  }
0x30: {  	s2 =	sand.u32 $0x4000, s31;
	s1 =	sadd.s32 s3, s30  }
0x31: {  	s0 =	sor.u32 s2, s0;
	s1 =	sshll.u32 s1, $0x11  }
0x32: {  	s0 =	sor.u32 s1, s0  }
0x33: {  	s0 =	sadd.s32 $0x8F2B, s0  }
0x34: {  	[sflag:s0] =	ssyncadd.remote.s32 $0x1  }
0x35: {  	_ =	sfence.sel $0xFFFF  }
0x36: {  	[dreg:$0x0] =	wrdreg $0xFFFFFFFF;
	(pc) =	sbr.abs _section_cstart, $3  }
0x37: {  	[dreg:$0x1] =	wrdreg $0xFFFFFFFF  }
0x38: {  	_ =	task.clear_ibuf [dreg:s6], $0x2FFFF;
	_ =	strace $0x9FFFFFFF  }
0x39: {  	(tm) =	ssettm $0x7FFFFFFF  }
tec
execute0_lowered:
.L_overlay_start_1:
0x0: {  	(tag) =	ssettag $0x1  }
0x1: {  	s0 =	rddreg [dreg:$0x0]  }
0x2: {  	_ =	strace $0x80000047;
	s1 =	srdreg.scid;
	s29 =	stileid.u32  }
0x3: {  	s30 =	simm.s32 $0x1;
	s31 =	simm.s32 $0x2;
	s17 =	simm.s32 $0x0  }
0x4: {  	p0 =	por $0x0, $0x0;
	s26 =	simm.s32 $0x0;
	s24 =	simm.s32 $0x0  }
0x5: {  	s19 =	simm.s32 $0x0;
	s27 =	simm.s32 $0x0;
	s25 =	simm.s32 $0x0  }
0x6: {  	s9 =	simm.s32 $0x0;
	s11 =	simm.s32 $0x0;
	s12 =	simm.s32 $0x0  }
0x7: {  	s14 =	simm.s32 $0x0;
	s13 =	simm.s32 $0x0;
	s18 =	simm.s32 $0x0  }
0x8: {  	s10 =	simm.s32 $0x0;
	s16 =	simm.s32 $0x0;
	s21 =	simm.s32 $0x0  }
0x9: {  	s23 =	simm.s32 $0x0;
	s15 =	simm.s32 $0x0;
	s2 =	sadd.s32 $0x405E00, s0  }
.Ltmp0:
0xa: {  	s0 =	sadd.s32 $0x1665E00, s0;
	s28 =	sshll.u32 s1, $0x4;
	(pc) =	sbr.rel .LBB1_1-.Ltmp0, $4  }
0xb: {  	[sflag:s30] =	ssyncpa.u1 $0x0;
	[dreg:$0x3] =	wrdreg s0;
	s0 =	sand.u32 $0x10, s28  }
0xc: {  	s7 =	sand.u32 $0x7, s29;
	[dreg:$0x2] =	wrdreg s2;
	s0 =	sor.u32 s29, s0  }
0xd: {  	[sflag:s31] =	ssyncpa.u1 $0x0;
	[dreg:$0x4] =	wrdreg s7;
	s8 =	sshrl.u32 s0, $0x3  }
0xe: {  	s22 =	smov.u32 s7;
	s20 =	smov.u32 s8;
	[dreg:$0x5] =	wrdreg s8  }
.LBB1_20:
0xf: {  	s0 =	sadd.s32 $0x1, s10  }
0x10: {  	s1 =	simm.s32 $0x1;
	p1 =	sgt.s32 s0, $0x7  }
0x11: {  	s1 =	simm.s32 @!p1 $0x0  }
0x12: {  	s1 =	sadd.s32 s1, s16  }
0x13: {  	s2 =	sadd.s32 $0x4, s20;
	s3 =	smov.u32 s20;
	p2 =	sgt.s32 s1, $0x2  }
0x14: {  	s3 =	smov.u32 @p2 s2  }
0x15: {  	s4 =	smov.u32 s21;
	s2 =	sadd.s32 $0x20, s21;
	p4 =	sgt.s32 s3, $0x7  }
0x16: {  	s5 =	smov.u32 s22;
	s4 =	smov.u32 @p4 s2  }
0x17: {  	s15 =	sadd.s32 $0x1, s15;
	s2 =	sadd.s32 $0x8, s22;
	p5 =	sgt.s32 s4, $0x1B  }
0x18: {  	s17 =	smov.u32 s9;
	s26 =	smov.u32 s11;
	s5 =	smov.u32 @p5 s2  }
0x19: {  	s24 =	smov.u32 s12;
	s2 =	simm.s32 $0x1;
	p3 =	sgt.s32 s5, $0x7  }
0x1a: {  	s19 =	smov.u32 s14;
	s27 =	smov.u32 s13;
	s2 =	simm.s32 @!p3 $0x0  }
0x1b: {  	s25 =	smov.u32 s18;
	s9 =	smov.u32 s10;
	s2 =	sadd.s32 s2, s23  }
0x1c: {  	s11 =	smov.u32 s16;
	s0 =	simm.s32 @p1 $0x0;
	p1 =	sgt.s32 s2, $0x1B  }
0x1d: {  	s12 =	smov.u32 s20;
	s2 =	simm.s32 @p1 $0x0;
	p1 =	sne.s32 s15, $0x542  }
.Ltmp1:
0x1e: {  	s14 =	smov.u32 s21;
	s13 =	smov.u32 s22;
	(pc) =	sbr.rel @!p1 .LBB1_21-.Ltmp1, $4  }
0x1f: {  	s18 =	smov.u32 s23;
	p0 =	por !p0, !p0;
	s1 =	simm.s32 @p2 $0x0  }
0x20: {  	s10 =	smov.u32 s0;
	s16 =	smov.u32 s1;
	s3 =	smov.u32 @p4 s8  }
0x21: {  	s20 =	smov.u32 s3;
	s4 =	simm.s32 @p5 $0x0;
	s5 =	smov.u32 @p3 s7  }
0x22: {  	s21 =	smov.u32 s4;
	s22 =	smov.u32 s5;
	s23 =	smov.u32 s2  }
.LBB1_1:
0x23: {  	p1 =	sgt.u32 s15, $0x53F  }
.Ltmp2:
0x24: {  	_ = 	snop;
	(pc) =	sbr.rel @p1 .LBB1_3-.Ltmp2, $1  }
0x25: {  	_ =	sdelay $0x3  }
0x26: {  	p1 =	sgt.s32 s23, $0x1B;
	p2 =	sgt.s32 s22, $0x7  }
0x27: {  	s0 =	smov.u32 s22;
	s1 =	sshra.s32 s22, $0x1F;
	s2 =	smov.u32 s23  }
0x28: {  	s3 =	sshra.s32 s23, $0x1F;
	s6 =	sshra.s32 s21, $0x1F;
	s30 =	sshra.s32 s10, $0x1F  }
0x29: {  	s0 =	simm.s32 @!p2 $0x7;
	s1 =	sand.u32 s1, s22;
	s2 =	simm.s32 @!p1 $0x1B  }
0x2a: {  	s3 =	sand.u32 s3, s23;
	p2 =	sgt.s32 s21, $0xFFFFFFFC;
	s31 =	sand.u32 s30, s10  }
0x2b: {  	s30 =	smul.u32 $0x180, s20;
	s0 =	ssub.s32 s0, s1;
	s4 =	ssub.s32 s2, s3  }
0x2c: {  	s2 =	smov.u32 s21;
	s3 =	sand.u32 s6, s21;
	s6 =	sshra.s32 s16, $0x1F  }
0x2d: {  	s5 =	sadd.s32 $0xFFFFFFF9, s0;
	s1 =	sadd.s32 $0xFFFFFFE5, s4;
	s0 =	ssub.s32 $0x8, s0  }
0x2e: {  	s2 =	simm.s32 @!p2 $0xFFFFFFFC;
	p2 =	sgt.s32 s20, $0x7;
	s4 =	sshra.s32 s20, $0x1F  }
0x2f: {  	s6 =	sand.u32 s6, s16;
	p1 =	sgt.s32 s5, $0x0;
	s2 =	ssub.s32 s2, s3  }
0x30: {  	s3 =	smov.u32 s20;
	s4 =	sand.u32 s4, s20;
	s0 =	simm.s32 @p1 $0x0  }
0x31: {  	p1 =	sgt.s32 s1, $0x0;
	s5 =	sadd.s32 $0x4, s2;
	s3 =	simm.s32 @!p2 $0x7  }
0x32: {  	s1 =	sshll.u32 s1, $0x5;
	s2 =	ssub.s32 $0x1C, s2;
	p2 =	sgt.s32 s5, $0x1F  }
0x33: {  	s3 =	ssub.s32 s3, s4;
	s1 =	ssub.s32 $0x20, s1;
	s5 =	smov.u32 s16  }
0x34: {  	s4 =	sadd.s32 $0xFFFFFFF9, s3;
	s1 =	simm.s32 @p1 $0x0;
	p1 =	sgt.s32 s16, $0x2  }
0x35: {  	s2 =	simm.s32 @p2 $0x0;
	s5 =	simm.s32 @!p1 $0x2;
	s0 =	smul.u32 s0, s1  }
0x36: {  	s3 =	ssub.s32 $0x8, s3;
	s28 =	ssub.s32 s5, s6;
	s5 =	smul.u32 $0xA8000, s23  }
0x37: {  	p2 =	sgt.s32 s10, $0x7;
	p1 =	sgt.s32 s4, $0x0;
	s6 =	smul.u32 $0x15000, s22  }
0x38: {  	s3 =	simm.s32 @p1 $0x0;
	s29 =	sadd.s32 $0xFFFFFFFE, s28;
	s0 =	smul.u32 s2, s0  }
0x39: {  	s1 =	ssub.s32 $0x3, s28;
	s2 =	smov.u32 s10;
	s28 =	smul.u32 $0xC00, s21  }
0x3a: {  	p1 =	sgt.s32 s29, $0x0;
	s2 =	simm.s32 @!p2 $0x7;
	s29 =	rddreg [dreg:$0x2]  }
0x3b: {  	s0 =	smul.u32 s3, s0;
	s1 =	simm.s32 @p1 $0x0;
	s2 =	ssub.s32 s2, s31  }
0x3c: {  	s3 =	sadd.s32 s29, s5;
	s31 =	sxor.u32 $0xFFFFFFFF, s15;
	s4 =	sadd.s32 $0xFFFFFFF9, s2  }
0x3d: {  	s2 =	ssub.s32 $0x8, s2;
	s0 =	smul.u32 s1, s0;
	p1 =	sgt.s32 s4, $0x0  }
0x3e: {  	s1 =	sadd.s32 s6, s3;
	s6 =	sshll.u32 s16, $0x7;
	s3 =	sshll.u32 s31, $0xA  }
0x3f: {  	s31 =	simm.s32 $0x6000;
	s2 =	simm.s32 @p1 $0x0;
	s1 =	sadd.s32 s28, s1  }
0x40: {  	s28 =	sshll.u32 s10, $0x4;
	s0 =	smul.u32 s2, s0;
	s1 =	sadd.s32 s30, s1  }
0x41: {  	s29 =	sand.u32 $0x400, s3;
	s4 =	sand.u32 $0x70, s28;
	s1 =	sadd.s32 s6, s1  }
0x42: {  	s30 =	simm.s32 $0x20;
	s0 =	sand.u32 $0x3FFFFFE0, s0;
	s1 =	sadd.s32 s4, s1  }
0x43: {  	[tilespmem:s29], [sflag:$0x1] =	stream.strided.gather [hbm4b:s1+s30], s0, s31, s30, $0x38;
	[tilespmem:$0x1040] =	vst v63  }
.LBB1_3:
0x44: {  	p1 =	seq.s32 s15, $0x0  }
0x45: {  	p2 =	seq.s32 @!p1 s15, $0x541  }
0x46: {  	p1 =	por p1, p2  }
.Ltmp3:
0x47: {  	_ = 	snop;
	(pc) =	sbr.rel @p1 .LBB1_18-.Ltmp3, $1  }
0x48: {  	_ =	sdelay $0x3  }
0x49: {  	[dreg:$0x11] =	wrdreg s27  }
0x4a: {  	[dreg:$0x10] =	wrdreg s26  }
0x4b: {  	[dreg:$0xf] =	wrdreg s25  }
0x4c: {  	[dreg:$0xe] =	wrdreg s24  }
0x4d: {  	[dreg:$0xd] =	wrdreg s19  }
0x4e: {  	[dreg:$0xc] =	wrdreg s17  }
0x4f: {  	[dreg:$0xb] =	wrdreg s16  }
0x50: {  	[dreg:$0xa] =	wrdreg s10  }
0x51: {  	s0 =	ssub.s32 $0x0, s18;
	s1 =	sshra.s32 s18, $0x1F;
	p1 =	sgt.s32 s18, $0x1B  }
0x52: {  	s2 =	smov.u32 s18;
	p2 =	sgt.s32 s13, $0x7;
	s10 =	sshra.s32 s13, $0x1F  }
0x53: {  	s16 =	ssub.s32 $0x0, s14;
	s3 =	sshra.s32 s14, $0x1F;
	s5 =	sshra.s32 s12, $0x1F  }
0x54: {  	p3 =	sgt.s32 s11, $0x2;
	s24 =	sshra.s32 s11, $0x1F;
	s27 =	sshra.s32 s9, $0x1F  }
0x55: {  	s0 =	sand.u32 s0, s1;
	s2 =	simm.s32 @!p1 $0x1B;
	s1 =	smov.u32 s13  }
0x56: {  	s6 =	sand.u32 s16, s3;
	s3 =	smov.u32 s12;
	s5 =	sand.u32 s5, s12  }
0x57: {  	[dreg:$0x12] =	wrdreg s0;
	s0 =	sadd.s32 s0, s2;
	s1 =	simm.s32 @!p2 $0x7  }
0x58: {  	s2 =	sand.u32 s10, s13;
	p2 =	sgt.s32 s12, $0x7;
	[dreg:$0x13] =	wrdreg s6  }
0x59: {  	s8 =	sadd.s32 $0xFFFFFFE5, s0;
	s0 =	ssub.s32 $0x1C, s0;
	s1 =	ssub.s32 s1, s2  }
0x5a: {  	s2 =	smov.u32 s14;
	s3 =	simm.s32 @!p2 $0x7;
	p1 =	sgt.s32 s8, $0x0  }
0x5b: {  	s4 =	sadd.s32 $0xFFFFFFF9, s1;
	s3 =	ssub.s32 s3, s5;
	s5 =	ssub.s32 $0x8, s1  }
0x5c: {  	s1 =	smov.u32 s11;
	s0 =	simm.s32 @p1 $0x0;
	p1 =	sgt.s32 s14, $0xFFFFFFFC  }
0x5d: {  	s19 =	sadd.s32 $0xFFFFFFF9, s3;
	s1 =	simm.s32 @!p3 $0x2;
	s2 =	simm.s32 @!p1 $0xFFFFFFFC  }
0x5e: {  	p1 =	sgt.s32 s4, $0x0;
	p2 =	sgt.s32 s19, $0x0;
	s4 =	ssub.s32 $0x8, s3  }
0x5f: {  	s3 =	sand.u32 s24, s11;
	s2 =	sadd.s32 s6, s2;
	s5 =	simm.s32 @p1 $0x0  }
0x60: {  	s4 =	simm.s32 @p2 $0x0;
	s1 =	ssub.s32 s1, s3;
	p2 =	sgt.s32 s9, $0x7  }
0x61: {  	s6 =	sand.u32 s27, s9;
	s17 =	sadd.s32 $0x4, s2;
	[dreg:$0x14] =	wrdreg s5  }
0x62: {  	s2 =	ssub.s32 $0x1C, s2;
	[dreg:$0x15] =	wrdreg s4;
	s25 =	smul.u32 s5, s4  }
0x63: {  	s26 =	sadd.s32 $0xFFFFFFFE, s1;
	s5 =	smov.u32 s9;
	s4 =	ssub.s32 $0x3, s1  }
0x64: {  	p1 =	sgt.s32 s17, $0x1F;
	s5 =	simm.s32 @!p2 $0x7;
	s0 =	smul.u32 s0, s25  }
0x65: {  	s2 =	simm.s32 @p1 $0x0;
	p1 =	sgt.s32 s26, $0x0;
	s28 =	ssub.s32 s5, s6  }
0x66: {  	s1 =	sadd.s32 $0x1, s18;
	s29 =	sadd.s32 $0xFFFFFFF9, s28;
	s4 =	simm.s32 @p1 $0x0  }
0x67: {  	s3 =	ssub.s32 $0x8, s28;
	s0 =	smul.u32 s2, s0;
	p1 =	sgt.s32 s29, $0x0  }
0x68: {  	[dreg:$0x16] =	wrdreg s4;
	s2 =	sadd.s32 $0x1, s13;
	s3 =	simm.s32 @p1 $0x0  }
0x69: {  	p1 =	slt.s32 s1, $0x1C;
	s0 =	smul.u32 s4, s0;
	[dreg:$0x17] =	wrdreg s3  }
0x6a: {  	s1 =	simm.s32 @!p1 $0x1C;
	p1 =	slt.s32 s2, $0x8;
	s4 =	sadd.s32 $0x1, s12  }
0x6b: {  	s10 =	ssub.s32 s1, s18;
	s2 =	simm.s32 @!p1 $0x8;
	s1 =	sadd.s32 $0x20, s14  }
0x6c: {  	s2 =	ssub.s32 s2, s13;
	p2 =	slt.s32 s1, $0x1C;
	p1 =	slt.s32 s10, $0x1  }
0x6d: {  	p3 =	slt.s32 s4, $0x8;
	s1 =	simm.s32 @!p2 $0x1C;
	p2 =	slt.s32 @!p1 s2, $0x1  }
0x6e: {  	s0 =	smul.u32 s3, s0;
	s3 =	ssub.s32 s1, s14;
	p2 =	por p1, p2  }
0x6f: {  	s4 =	simm.s32 @!p3 $0x8;
	s1 =	sadd.s32 $0x1, s11;
	p3 =	slt.s32 @!p2 s3, $0x1  }
0x70: {  	s5 =	ssub.s32 s4, s12;
	p2 =	por p2, p3;
	p3 =	slt.s32 s1, $0x3  }
0x71: {  	s4 =	sadd.s32 $0x1, s9;
	s1 =	simm.s32 @!p3 $0x3;
	p3 =	slt.s32 @!p2 s5, $0x1  }
0x72: {  	s6 =	ssub.s32 s1, s11;
	p2 =	por p2, p3;
	p3 =	slt.s32 s4, $0x8  }
0x73: {  	s4 =	simm.s32 @!p3 $0x8;
	p3 =	slt.s32 @!p2 s6, $0x1  }
0x74: {  	s7 =	ssub.s32 s4, s9;
	p2 =	por p2, p3  }
0x75: {  	[dreg:$0x9] =	wrdreg s13;
	p3 =	slt.s32 @!p2 s7, $0x1  }
0x76: {  	[dreg:$0x8] =	wrdreg s12;
	p2 =	por p2, p3  }
.Ltmp4:
0x77: {  	[dreg:$0x7] =	wrdreg s11;
	s0 =	sshll.u32 s0, $0x5;
	(pc) =	sbr.rel @p2 .LBB1_17-.Ltmp4, $4  }
0x78: {  	[dreg:$0x6] =	wrdreg s9;
	s30 =	simm.s32 $0x1;
	s0 =	sand.u32 $0x3FFFFFE0, s0  }
0x79: {  	_ =	swait.ge [sflag:s30], s0  }
0x7a: {  	s31 =	sand.u32 $0x1, s15;
	s0 =	ssub.s32 $0x0, s0;
	[sflag:s30] =	ssyncset.done $0x0  }
0x7b: {  	[dreg:$0x18] =	wrdreg s31;
	[sflag:s30] =	ssyncadd.s32 s0  }
0x7c: {  	s0 =	simm.s32 $0x1  }
0x7d: {  	s0 =	simm.s32 @!p0 $0x0  }
0x7e: {  	s0 =	smul.u32 $0x1080, s0;
	_ =	sdelay $0x1  }
0x7f: {  	s1 =	rddreg [dreg:$0x18];
	s4 =	simm.s32 $0x0;
	s0 =	sshrl.u32 s0, $0x2  }
0x80: {  	s24 =	simm.s32 $0x0;
	s30 =	sshll.u32 @!p1 s1, $0xA;
	s31 =	sor.u32 $0x800, s0  }
.LBB1_6:
0x81: {  	s0 =	sand.u32 $0x7, s4  }
0x82: {  	s0 =	smul.u32 $0x84, s0;
	_ =	sdelay $0x1  }
0x83: {  	s0 =	sshrl.u32 s0, $0x2  }
0x84: {  	s26 =	simm.s32 $0x0;
	s25 =	sadd.s32 s0, s31  }
.LBB1_7:
0x85: {  	s0 =	sadd.s32 s24, s26  }
0x86: {  	s0 =	sshll.u32 s0, $0xC  }
0x87: {  	s0 =	sshra.s32 s0, $0x2  }
0x88: {  	s28 =	simm.s32 $0x0;
	s27 =	sadd.s32 s0, s30;
	s0 =	simm.s32 $0x0  }
.LBB1_8:
0x89: {  	s1 =	sand.u32 $0x7F, s0  }
0x8a: {  	s29 =	simm.s32 $0x0;
	s13 =	sadd.s32 s1, s25  }
.LBB1_9:
0x8b: {  	s8 =	sadd.s32 s28, s29  }
0x8c: {  	s9 =	simm.s32 $0x0;
	s11 =	smov.u32 s13;
	s12 =	simm.s32 $0x0  }
.LBB1_10:
0x8d: {  	s1 =	sadd.s32 s12, s8  }
0x8e: {  	s1 =	sshll.u32 s1, $0x7  }
0x8f: {  	s1 =	sshra.s32 s1, $0x2  }
0x90: {  	s1 =	sadd.s32 s1, s27  }
0x91: {  	v0 =	vmov s1;
	_ =	sdelay $0x2  }
0x92: {  	p1 =	sne.s32 s7, $0x1  }
.Ltmp5:
0x93: {  	s19 =	sand.u32 $0xE0, s9;
	(pc) =	sbr.rel @!p1 .LBB1_12-.Ltmp5, $2  }
0x94: {  	v1 =	vld.idx.msk [tilespmem:v0+s19+$0x0 ss:$0x1], $0xffff;
	_ =	sdelay $0x2  }
0x95: {  	s16 =	sadd.s32 $0xFFFFFFFF, s7;
	s17 =	simm.s32 $0x20;
	s1 =	smov.u32 s11  }
.LBB1_11:
0x96: {  	s19 =	sand.u32 $0xE0, s17;
	p1 =	sne.s32 s16, $0x1;
	s16 =	sadd.s32 $0xFFFFFFFF, s16  }
.Ltmp6:
0x97: {  	[tilespmem:s1+$0x0 ss:$0x21] =	vst.msk $0xffff, v1;
	v1 =	vld.idx.msk [tilespmem:v0+s19+$0x0 ss:$0x1], $0xffff;
	(pc) =	sbr.rel @p1 .LBB1_11-.Ltmp6, $2  }
0x98: {  	_ =	sdelay $0x2  }
0x99: {  	s17 =	sadd.s32 $0x20, s17;
	s1 =	sadd.s32 $0x420, s1  }
.LBB1_12:
0x9a: {  	s12 =	sadd.s32 $0x1, s12  }
0x9b: {  	p1 =	sne.s32 s12, s6  }
.Ltmp7:
0x9c: {  	_ = 	snop;
	(pc) =	sbr.rel @p1 .LBB1_10-.Ltmp7, $2  }
0x9d: {  	_ =	sdelay $0x2  }
0x9e: {  	s11 =	sadd.s32 $0x420, s11;
	[tilespmem:s1+$0x0 ss:$0x21] =	vst.msk $0xffff, v1  }
0x9f: {  	s29 =	sadd.s32 $0x1, s29  }
0xa0: {  	p1 =	sne.s32 s29, s5  }
.Ltmp8:
0xa1: {  	_ = 	snop;
	(pc) =	sbr.rel @p1 .LBB1_9-.Ltmp8, $2  }
0xa2: {  	_ =	sdelay $0x2  }
0xa3: {  	s13 =	sadd.s32 $0x21, s13  }
0xa4: {  	s28 =	sadd.s32 $0x1, s28  }
0xa5: {  	p1 =	sne.s32 s28, s3  }
.Ltmp9:
0xa6: {  	_ = 	snop;
	(pc) =	sbr.rel @p1 .LBB1_8-.Ltmp9, $2  }
0xa7: {  	_ =	sdelay $0x2  }
0xa8: {  	s0 =	sadd.s32 $0x1, s0  }
0xa9: {  	s26 =	sadd.s32 $0x1, s26  }
0xaa: {  	p1 =	sne.s32 s26, s2  }
.Ltmp10:
0xab: {  	_ = 	snop;
	(pc) =	sbr.rel @p1 .LBB1_7-.Ltmp10, $2  }
0xac: {  	_ =	sdelay $0x2  }
0xad: {  	s25 =	sadd.s32 $0x21, s25  }
0xae: {  	s24 =	sadd.s32 $0x1, s24  }
0xaf: {  	p1 =	sne.s32 s24, s10  }
.Ltmp11:
0xb0: {  	_ = 	snop;
	(pc) =	sbr.rel @p1 .LBB1_6-.Ltmp11, $2  }
0xb1: {  	_ =	sdelay $0x2  }
0xb2: {  	s4 =	sadd.s32 $0x1, s4  }
.LBB1_17:
0xb3: {  	s1 =	rddreg [dreg:$0x12]  }
0xb4: {  	s9 =	rddreg [dreg:$0x13]  }
0xb5: {  	s10 =	rddreg [dreg:$0x14]  }
0xb6: {  	s11 =	rddreg [dreg:$0x15]  }
0xb7: {  	s4 =	rddreg [dreg:$0x16]  }
0xb8: {  	s16 =	rddreg [dreg:$0x18]  }
0xb9: {  	p1 =	sgt.s32 s18, $0x1F;
	s0 =	smov.u32 s18;
	s17 =	rddreg [dreg:$0x17]  }
0xba: {  	s2 =	smov.u32 s14;
	s12 =	sshll.u32 s18, $0x7;
	s6 =	rddreg [dreg:$0x3]  }
0xbb: {  	s13 =	sshll.u32 s14, $0x3;
	s5 =	sshrl.u32 s14, $0x3;
	s7 =	rddreg [dreg:$0x4]  }
0xbc: {  	s28 =	sand.u32 $0x7, s14;
	s31 =	simm.s32 $0x40000;
	s8 =	rddreg [dreg:$0x5]  }
0xbd: {  	s27 =	rddreg [dreg:$0x11];
	s0 =	simm.s32 @!p1 $0x1F;
	p1 =	sgt.s32 s14, $0x60  }
0xbe: {  	s3 =	sand.u32 $0xC00, s12;
	s5 =	sand.u32 $0xF, s5;
	s0 =	sadd.s32 s1, s0  }
0xbf: {  	s29 =	sshll.u32 s28, $0x12;
	s2 =	simm.s32 @!p1 $0x60;
	s1 =	ssub.s32 $0x20, s0  }
0xc0: {  	s30 =	sor.u32 $0x20, s29;
	s0 =	sadd.s32 $0xFFFFFFE1, s0;
	s1 =	smul.u32 $0xC, s1  }
0xc1: {  	p1 =	sgt.s32 s0, $0x0;
	s0 =	sadd.s32 s9, s2;
	s9 =	rddreg [dreg:$0x6]  }
0xc2: {  	s2 =	sadd.s32 $0xFFFFFFA0, s0;
	s0 =	ssub.s32 $0x80, s0;
	s26 =	smul.u32 $0x60000, s9  }
0xc3: {  	s1 =	simm.s32 @p1 $0x0;
	p1 =	sgt.s32 s2, $0x1F;
	s2 =	sand.u32 $0xC00, s13  }
0xc4: {  	s13 =	rddreg [dreg:$0x9];
	s1 =	smul.u32 s10, s1;
	s0 =	simm.s32 @p1 $0x0  }
0xc5: {  	s2 =	sadd.s32 s3, s2;
	s19 =	sshll.u32 s13, $0xC;
	s10 =	rddreg [dreg:$0xa]  }
0xc6: {  	s0 =	smul.u32 s0, s1;
	s1 =	sand.u32 $0x380, s12;
	s12 =	rddreg [dreg:$0x8]  }
0xc7: {  	s1 =	sor.u32 s1, s2;
	s2 =	sadd.s32 s6, s19;
	s19 =	rddreg [dreg:$0xd]  }
0xc8: {  	s24 =	sshll.u32 s12, $0x9;
	s0 =	smul.u32 s11, s0;
	s11 =	rddreg [dreg:$0x7]  }
0xc9: {  	s2 =	sadd.s32 s24, s2;
	s1 =	sshrl.u32 s1, $0x3;
	s25 =	smul.u32 $0x300000, s11  }
0xca: {  	s24 =	rddreg [dreg:$0xe];
	s2 =	sadd.s32 s5, s2;
	s0 =	smul.u32 s4, s0  }
0xcb: {  	s1 =	sand.u32 $0x1F0, s1;
	s4 =	smul.u32 $0x420, s16;
	s16 =	rddreg [dreg:$0xb]  }
0xcc: {  	s2 =	sadd.s32 s25, s2;
	s25 =	rddreg [dreg:$0xf];
	s0 =	smul.u32 s17, s0  }
0xcd: {  	s2 =	sadd.s32 s26, s2;
	s4 =	sor.u32 $0x800, s4;
	s17 =	rddreg [dreg:$0xc]  }
0xce: {  	s26 =	rddreg [dreg:$0x10];
	s1 =	sadd.s32 s1, s2;
	s0 =	sand.u32 $0x3FFFFFFC, s0  }
0xcf: {  	[hbm4b:s1+s30] =	stream.strided.scatter [tilespmem:s4], [sflag:$0x2], s0, s31, s30, $0x10;
	[tilespmem:$0x1040] =	vst v63  }
.LBB1_18:
0xd0: {  	p1 =	slt.u32 s15, $0x2  }
.Ltmp12:
0xd1: {  	_ = 	snop;
	(pc) =	sbr.rel @p1 .LBB1_20-.Ltmp12, $1  }
0xd2: {  	_ =	sdelay $0x3  }
0xd3: {  	p1 =	sgt.s32 s26, $0x2;
	p2 =	sgt.s32 s27, $0x7  }
0xd4: {  	s0 =	smov.u32 s27;
	s1 =	sshra.s32 s27, $0x1F;
	s2 =	smov.u32 s26  }
0xd5: {  	s3 =	sshra.s32 s26, $0x1F;
	s5 =	sshra.s32 s24, $0x1F;
	s6 =	sshra.s32 s25, $0x1F  }
0xd6: {  	s28 =	sshra.s32 s17, $0x1F;
	s1 =	sand.u32 s1, s27;
	s0 =	simm.s32 @!p2 $0x7  }
0xd7: {  	s2 =	simm.s32 @!p1 $0x2;
	s3 =	sand.u32 s3, s26;
	p2 =	sgt.s32 s24, $0x7  }
0xd8: {  	s29 =	sand.u32 s28, s17;
	s0 =	ssub.s32 s0, s1;
	s31 =	ssub.s32 s2, s3  }
0xd9: {  	s2 =	smov.u32 s24;
	s3 =	sand.u32 s5, s24;
	s5 =	smov.u32 s19  }
0xda: {  	s4 =	sadd.s32 $0xFFFFFFF9, s0;
	s2 =	simm.s32 @!p2 $0x7;
	p2 =	sgt.s32 s25, $0x1F  }
0xdb: {  	s0 =	ssub.s32 $0x8, s0;
	p1 =	sgt.s32 s4, $0x0;
	s4 =	smov.u32 s25  }
0xdc: {  	s2 =	ssub.s32 s2, s3;
	s3 =	sand.u32 s6, s25;
	s4 =	simm.s32 @!p2 $0x1F  }
0xdd: {  	s6 =	sshra.s32 s19, $0x1F;
	p2 =	sgt.s32 s19, $0x60;
	s3 =	ssub.s32 s4, s3  }
0xde: {  	s19 =	sand.u32 s6, s19;
	s5 =	simm.s32 @!p2 $0x60;
	s25 =	ssub.s32 $0x20, s3  }
0xdf: {  	s4 =	ssub.s32 s5, s19;
	s3 =	sadd.s32 $0xFFFFFFE1, s3;
	s5 =	smul.u32 $0xC, s25  }
0xe0: {  	s0 =	simm.s32 @p1 $0x0;
	s27 =	sadd.s32 $0xFFFFFFF9, s2;
	p1 =	sgt.s32 s3, $0x0  }
0xe1: {  	s2 =	ssub.s32 $0x8, s2;
	s26 =	sadd.s32 $0xFFFFFFA0, s4;
	s5 =	simm.s32 @p1 $0x0  }
0xe2: {  	s4 =	ssub.s32 $0x80, s4;
	p1 =	sgt.s32 s26, $0x1F;
	s0 =	smul.u32 s0, s5  }
0xe3: {  	p2 =	sgt.s32 s17, $0x7;
	s3 =	smov.u32 s17;
	s4 =	simm.s32 @p1 $0x0  }
0xe4: {  	s3 =	simm.s32 @!p2 $0x7;
	p2 =	sgt.s32 s27, $0x0;
	s0 =	smul.u32 s4, s0  }
0xe5: {  	s24 =	sadd.s32 $0xFFFFFFFE, s31;
	s1 =	ssub.s32 $0x3, s31;
	s2 =	simm.s32 @p2 $0x0  }
0xe6: {  	s3 =	ssub.s32 s3, s29;
	p1 =	sgt.s32 s24, $0x0;
	s0 =	smul.u32 s2, s0  }
0xe7: {  	s30 =	sadd.s32 $0xFFFFFFF9, s3;
	s1 =	simm.s32 @p1 $0x0  }
0xe8: {  	p1 =	sgt.s32 s30, $0x0;
	s2 =	ssub.s32 $0x8, s3;
	s0 =	smul.u32 s1, s0  }
0xe9: {  	s2 =	simm.s32 @p1 $0x0  }
0xea: {  	s0 =	smul.u32 s2, s0  }
.Ltmp13:
0xeb: {  	_ = 	snop;
	(pc) =	sbr.rel .LBB1_20-.Ltmp13, $4  }
0xec: {  	s31 =	simm.s32 $0x2;
	s0 =	sand.u32 $0x3FFFFFFC, s0  }
0xed: {  	_ =	swait.ge [sflag:s31], s0  }
0xee: {  	s0 =	ssub.s32 $0x0, s0;
	[sflag:s31] =	ssyncset.done $0x0  }
0xef: {  	[sflag:s31] =	ssyncadd.s32 s0  }
.LBB1_21:
0xf0: {  	_ =	sfence.sel $0x180000  }
0xf1: {  	s0 =	simm.s32 $0x1;
	[bflag:$0x0] =	sbarrier.arrive $0xFFFF  }
0xf2: {  	s30 =	simm.s32 $0x2;
	[sflag:s0] =	ssyncpa.u1 $0x1  }
0xf3: {  	[sflag:s30] =	ssyncpa.u1 $0x1  }
0xf4: {  	_ =	strace $0x90000047  }
0xf5: {  	s31 =	stileid.u32;
	[bflag:$0x2] =	sbarrier.arrive $0xFFFF  }
0xf6: {  	p0 =	sne.s32 s31, $0x0;
	s0 =	rddreg [dreg:$0x1]  }
0xf7: {  	s0 =	sadd.s32 @!p0 $0x100000, s0  }
0xf8: {  	[sflag:s0] =	ssyncadd.tile.s32 @!p0 $0x1;
	_ =	shalt  }
.Lfunc_end1:
_tile_overlayer_lowered:
.L_overlay_start_2:
0xf9: {  	(tag) =	ssettag $0x2  }
0xfa: {  	s0 =	rddreg [dreg:$0x0];
	s2 =	stileid.u32  }
0xfb: {  	s1 =	rddreg [dreg:$0x1];
	p0 =	sne.s32 s2, $0x0  }
0xfc: {  	s3 =	rddreg [dreg:$0x2];
	[bflag:$0x3] =	sbarrier.arrive $0xFFFF;
	s2 =	simm.s32 @!p0 $0x1C01  }
0xfd: {  	[timem:s3], [sflag:s2] =	dma.local @!p0 [hbm:s0], s1  }
0xfe: {  	s0 =	simm.s32 @!p0 $0x1  }
0xff: {  	_ =	swait.ge @!p0 [sflag:s0], s1  }
0x100: {  	s1 =	ssub.s32 @!p0 $0x0, s1;
	[sflag:s0] =	ssyncset.done @!p0 $0x0  }
0x101: {  	[sflag:s0] =	ssyncadd.s32 @!p0 s1  }
0x102: {  	[bflag:$0x3] =	sbarrier.arrive $0xFFFF  }
0x103: {  	_ =	shalt  }

</sc_bundles>
